<compile_context>
chip_gen: v7x
topology: tpu7x:2x2x1
jax: 0.10.2.dev20260603
libtpu: 0.0.44.dev20260713+nightly
codegen_flags: <defaults>
</compile_context>

<pallas_src>
import functools

import jax
import jax.numpy as jnp
from jax import lax
from jax.experimental import pallas as pl
from jax.experimental.pallas import tpu as pltpu
from jax.experimental.pallas import tpu_sc as plsc

BATCH = 16384
DIM = 128

NUM_CORES = 2
NUM_SUBCORES = 16
NUM_WORKERS = NUM_CORES * NUM_SUBCORES
BPW = BATCH // NUM_WORKERS
CHUNK = 128
CHUNKS_PER_OUT = BPW // CHUNK
NBUF = 4


def _gather_body(re_hbm, im_hbm, i_hbm, out_re, out_im,
                 idx, bufs, gsems, wsems):
    wid = lax.axis_index("s") * NUM_CORES + lax.axis_index("c")
    base = wid * BPW

    pltpu.sync_copy(i_hbm.at[pl.ds(base, BPW)], idx)

    tasks = []
    for table, out in ((re_hbm, out_re), (im_hbm, out_im)):
        for c in range(CHUNKS_PER_OUT):
            tasks.append((table, out, c))

    def start_gather(t):
        table, _, c = tasks[t]
        b = t % NBUF
        pltpu.async_copy(table.at[idx.at[pl.ds(c * CHUNK, CHUNK)]],
                         bufs[b], gsems[b])

    def wait_gather(b):
        pltpu.make_async_copy(re_hbm.at[pl.ds(0, CHUNK)], bufs[b],
                              gsems[b]).wait()

    def wait_write(b, out):
        pltpu.make_async_copy(bufs[b], out.at[pl.ds(base, CHUNK)],
                              wsems[b]).wait()

    for t in range(NBUF):
        start_gather(t)

    for t in range(len(tasks)):
        b = t % NBUF
        _, out, c = tasks[t]
        wait_gather(b)
        row0 = base + c * CHUNK
        pltpu.async_copy(bufs[b], out.at[pl.ds(row0, CHUNK)], wsems[b])
        if t + NBUF < len(tasks):
            wait_write(b, out)
            start_gather(t + NBUF)

    for t in range(len(tasks) - NBUF, len(tasks)):
        b = t % NBUF
        wait_write(b, tasks[t][1])


def _gather2_body(are_hbm, aim_hbm, bre_hbm, bim_hbm, ia_hbm, ib_hbm,
                  out_are, out_aim, out_bre, out_bim,
                  idx_a, idx_b, bufs, gsems, wsems):
    wid = lax.axis_index("s") * NUM_CORES + lax.axis_index("c")
    base = wid * BPW

    pltpu.sync_copy(ia_hbm.at[pl.ds(base, BPW)], idx_a)
    pltpu.sync_copy(ib_hbm.at[pl.ds(base, BPW)], idx_b)

    tasks = []
    for table, idx, out in ((are_hbm, idx_a, out_are),
                            (aim_hbm, idx_a, out_aim),
                            (bre_hbm, idx_b, out_bre),
                            (bim_hbm, idx_b, out_bim)):
        for c in range(CHUNKS_PER_OUT):
            tasks.append((table, idx, out, c))

    def start_gather(t):
        table, idx, _, c = tasks[t]
        b = t % NBUF
        pltpu.async_copy(table.at[idx.at[pl.ds(c * CHUNK, CHUNK)]],
                         bufs[b], gsems[b])

    def wait_gather(b):
        pltpu.make_async_copy(are_hbm.at[pl.ds(0, CHUNK)], bufs[b],
                              gsems[b]).wait()

    def wait_write(b, out):
        pltpu.make_async_copy(bufs[b], out.at[pl.ds(base, CHUNK)],
                              wsems[b]).wait()

    for t in range(NBUF):
        start_gather(t)
    for t in range(len(tasks)):
        b = t % NBUF
        _, _, out, c = tasks[t]
        wait_gather(b)
        pltpu.async_copy(bufs[b], out.at[pl.ds(base + c * CHUNK, CHUNK)],
                         wsems[b])
        if t + NBUF < len(tasks):
            wait_write(b, out)
            start_gather(t + NBUF)
    for t in range(len(tasks) - NBUF, len(tasks)):
        b = t % NBUF
        wait_write(b, tasks[t][2])


_sc_gather2 = functools.partial(
    pl.kernel,
    out_type=[jax.ShapeDtypeStruct((BATCH, DIM), jnp.float32)] * 4,
    mesh=plsc.VectorSubcoreMesh(core_axis_name="c", subcore_axis_name="s"),
    scratch_types=(
        [pltpu.VMEM((BPW,), jnp.int32)] * 2
        + [[pltpu.VMEM((CHUNK, DIM), jnp.float32) for _ in range(NBUF)]]
        + [[pltpu.SemaphoreType.DMA for _ in range(NBUF)]]
        + [[pltpu.SemaphoreType.DMA for _ in range(NBUF)]]
    ),
)

_sc_gather = functools.partial(
    pl.kernel,
    out_type=[jax.ShapeDtypeStruct((BATCH, DIM), jnp.float32)] * 2,
    mesh=plsc.VectorSubcoreMesh(core_axis_name="c", subcore_axis_name="s"),
    scratch_types=(
        [pltpu.VMEM((BPW,), jnp.int32)]
        + [[pltpu.VMEM((CHUNK, DIM), jnp.float32) for _ in range(NBUF)]]
        + [[pltpu.SemaphoreType.DMA for _ in range(NBUF)]]
        + [[pltpu.SemaphoreType.DMA for _ in range(NBUF)]]
    ),
)


def kernel(inputs, entity_embedding_real, entity_embedding_img,
           relation_embedding_real, relation_embedding_img):
    s = inputs[:, 0].astype(jnp.int32)
    p = inputs[:, 1].astype(jnp.int32)
    o = inputs[:, 2].astype(jnp.int32)

    sr, si = _sc_gather(_gather_body)(
        entity_embedding_real, entity_embedding_img, s)
    pr, pi, orr, oi = _sc_gather2(_gather2_body)(
        relation_embedding_real, relation_embedding_img,
        entity_embedding_real, entity_embedding_img, p, o)
    return (lax.complex(sr, si), lax.complex(pr, pi), lax.complex(orr, oi))

# --- scband reference (transcript-rebuilt; emitter-appended) ---
"""Pipeline reference for scband-rotat-eencoder-40020505264315 (READ-ONLY COPY).

The authoritative reference and input builder live on the scoring server;
editing this copy changes nothing except your own understanding.
"""

import jax, jax.numpy as jnp
import numpy as np

NUM_ENTITIES = 1000000
NUM_RELATIONS = 1000
EMBED_DIM = 128
BATCH = 16384


def setup_inputs(seed: int = 0) -> dict:
    key = jax.random.key(seed)
    k1, k2, k3, k4, k5 = jax.random.split(key, 5)
    inputs = jax.random.randint(k1, (BATCH, 3), 0, NUM_RELATIONS, dtype=jnp.int64 if jax.config.jax_enable_x64 else jnp.int32)
    scale_e = (6.0 / (NUM_ENTITIES + EMBED_DIM)) ** 0.5
    scale_r = (6.0 / (NUM_RELATIONS + EMBED_DIM)) ** 0.5
    entity_embedding_real = jax.random.uniform(k2, (NUM_ENTITIES, EMBED_DIM), jnp.float32, -scale_e, scale_e)
    entity_embedding_img = jax.random.uniform(k3, (NUM_ENTITIES, EMBED_DIM), jnp.float32, -scale_e, scale_e)
    relation_embedding_real = jax.random.uniform(k4, (NUM_RELATIONS, EMBED_DIM), jnp.float32, -scale_r, scale_r)
    relation_embedding_img = jax.random.uniform(k5, (NUM_RELATIONS, EMBED_DIM), jnp.float32, -scale_r, scale_r)
    return {
        "inputs": inputs,
        "entity_embedding_real": entity_embedding_real,
        "entity_embedding_img": entity_embedding_img,
        "relation_embedding_real": relation_embedding_real,
        "relation_embedding_img": relation_embedding_img,
    }


def reference(inputs, entity_embedding_real, entity_embedding_img, relation_embedding_real, relation_embedding_img):
    s = inputs[:, 0]
    p = inputs[:, 1]
    o = inputs[:, 2]
    s_embed_real = jnp.take(entity_embedding_real, s, axis=0)
    s_embed_img = jnp.take(entity_embedding_img, s, axis=0)
    p_embed_real = jnp.take(relation_embedding_real, p, axis=0)
    p_embed_img = jnp.take(relation_embedding_img, p, axis=0)
    o_embed_real = jnp.take(entity_embedding_real, o, axis=0)
    o_embed_img = jnp.take(entity_embedding_img, o, axis=0)
    s_embed = jax.lax.complex(s_embed_real, s_embed_img)
    p_embed = jax.lax.complex(p_embed_real, p_embed_img)
    o_embed = jax.lax.complex(o_embed_real, o_embed_img)
    return (s_embed, p_embed, o_embed)

if __name__ == "__main__":
    import jax
    _d = setup_inputs()
    print(jax.jit(kernel)(*tuple(_d.values())))

</pallas_src>

<mosaic_0001>
#map = affine_map<(d0, d1) -> (0, 0)>
#map1 = affine_map<(d0, d1) -> (0)>
module attributes {stable_mosaic.version = 14 : i64} {
  func.func @_gather_body(%arg0: i32, %arg1: i32, %arg2: memref<1000000x128xf32, #tpu.memory_space<hbm>>, %arg3: memref<1000000x128xf32, #tpu.memory_space<hbm>>, %arg4: memref<16384xi32, #tpu.memory_space<hbm>>, %arg5: memref<16384x128xf32, #tpu.memory_space<hbm>>, %arg6: memref<16384x128xf32, #tpu.memory_space<hbm>>, %arg7: memref<512xi32, #tpu.memory_space<vmem>>, %arg8: memref<128x128xf32, #tpu.memory_space<vmem>>, %arg9: memref<128x128xf32, #tpu.memory_space<vmem>>, %arg10: memref<128x128xf32, #tpu.memory_space<vmem>>, %arg11: memref<128x128xf32, #tpu.memory_space<vmem>>, %arg12: memref<!tpu.dma_semaphore, #tpu.memory_space<semaphore_mem>>, %arg13: memref<!tpu.dma_semaphore, #tpu.memory_space<semaphore_mem>>, %arg14: memref<!tpu.dma_semaphore, #tpu.memory_space<semaphore_mem>>, %arg15: memref<!tpu.dma_semaphore, #tpu.memory_space<semaphore_mem>>, %arg16: memref<!tpu.dma_semaphore, #tpu.memory_space<semaphore_mem>>, %arg17: memref<!tpu.dma_semaphore, #tpu.memory_space<semaphore_mem>>, %arg18: memref<!tpu.dma_semaphore, #tpu.memory_space<semaphore_mem>>, %arg19: memref<!tpu.dma_semaphore, #tpu.memory_space<semaphore_mem>>) attributes {dimension_semantics = [#tpu.dimension_semantics<core_parallel>, #tpu.dimension_semantics<subcore_parallel>], iteration_bounds = array<i64: 2, 16>, scalar_prefetch = 0 : i64, scratch_operands = 13 : i64, tpu.core_type = #tpu.core_type<sc_vector_subcore>, window_params = [{transform_indices = #map}, {transform_indices = #map}, {transform_indices = #map1}, {transform_indices = #map}, {transform_indices = #map}]} {
    %mul3A = arith.constant 2 : i32
    %mul3A_0 = arith.muli %arg1, %mul3A : i32
    %add3A = arith.addi %mul3A_0, %arg0 : i32
    %mul3A_1 = arith.constant 512 : i32
    %mul3A_2 = arith.muli %add3A, %mul3A_1 : i32
    "tpu.region"() ({
      %run_scoped3A = tpu.sem_alloc : memref<!tpu.dma_semaphore, #tpu.memory_space<semaphore_mem>>
      %dma_start3A_169 = tpu.memref_slice %arg4[%mul3A_2] : memref<16384xi32, #tpu.memory_space<hbm>> -> memref<512xi32, #tpu.memory_space<hbm>>
      %dma_start3A_170 = tpu.memref_slice %arg4[%mul3A_2] : memref<16384xi32, #tpu.memory_space<hbm>> -> memref<512xi32, #tpu.memory_space<hbm>>
      tpu.enqueue_dma source(%dma_start3A_170 : memref<512xi32, #tpu.memory_space<hbm>>) target(%arg7 : memref<512xi32, #tpu.memory_space<vmem>>) target_semaphore(%run_scoped3A : memref<!tpu.dma_semaphore, #tpu.memory_space<semaphore_mem>>)
      %dma_wait3A_171 = tpu.memref_slice %arg4[%mul3A_2] : memref<16384xi32, #tpu.memory_space<hbm>> -> memref<512xi32, #tpu.memory_space<hbm>>
      %dma_wait3A_172 = tpu.memref_slice %arg4[%mul3A_2] : memref<16384xi32, #tpu.memory_space<hbm>> -> memref<512xi32, #tpu.memory_space<hbm>>
      tpu.wait_dma2 semaphore(%run_scoped3A : memref<!tpu.dma_semaphore, #tpu.memory_space<semaphore_mem>>) src(%dma_wait3A_172 : memref<512xi32, #tpu.memory_space<hbm>>) dst(%arg7 : memref<512xi32, #tpu.memory_space<vmem>>)
      tpu.yield
    }) : () -> ()
    %dma_start3A = arith.constant 0 : i32
    %dma_start3A_3 = tpu.memref_slice %arg7[%dma_start3A] : memref<512xi32, #tpu.memory_space<vmem>> -> memref<128xi32, #tpu.memory_space<vmem>>
    %dma_start3A_4 = arith.constant 0 : i32
    %dma_start3A_5 = arith.constant 0 : i32
    %dma_start3A_6 = tpu.memref_slice %arg2[%dma_start3A_4, %dma_start3A_5] : memref<1000000x128xf32, #tpu.memory_space<hbm>> -> memref<1000000x128xf32, #tpu.memory_space<hbm>>
    tpu.enqueue_indirect_dma source(%dma_start3A_6 : memref<1000000x128xf32, #tpu.memory_space<hbm>>) target(%arg8 : memref<128x128xf32, #tpu.memory_space<vmem>>) offsets(%dma_start3A_3 : memref<128xi32, #tpu.memory_space<vmem>>) semaphore(%arg12 : memref<!tpu.dma_semaphore, #tpu.memory_space<semaphore_mem>>)
    %dma_start3A_7 = arith.constant 128 : i32
    %dma_start3A_8 = tpu.memref_slice %arg7[%dma_start3A_7] : memref<512xi32, #tpu.memory_space<vmem>> -> memref<128xi32, #tpu.memory_space<vmem>>
    %dma_start3A_9 = arith.constant 0 : i32
    %dma_start3A_10 = arith.constant 0 : i32
    %dma_start3A_11 = tpu.memref_slice %arg2[%dma_start3A_9, %dma_start3A_10] : memref<1000000x128xf32, #tpu.memory_space<hbm>> -> memref<1000000x128xf32, #tpu.memory_space<hbm>>
    tpu.enqueue_indirect_dma source(%dma_start3A_11 : memref<1000000x128xf32, #tpu.memory_space<hbm>>) target(%arg9 : memref<128x128xf32, #tpu.memory_space<vmem>>) offsets(%dma_start3A_8 : memref<128xi32, #tpu.memory_space<vmem>>) semaphore(%arg13 : memref<!tpu.dma_semaphore, #tpu.memory_space<semaphore_mem>>)
    %dma_start3A_12 = arith.constant 256 : i32
    %dma_start3A_13 = tpu.memref_slice %arg7[%dma_start3A_12] : memref<512xi32, #tpu.memory_space<vmem>> -> memref<128xi32, #tpu.memory_space<vmem>>
    %dma_start3A_14 = arith.constant 0 : i32
    %dma_start3A_15 = arith.constant 0 : i32
    %dma_start3A_16 = tpu.memref_slice %arg2[%dma_start3A_14, %dma_start3A_15] : memref<1000000x128xf32, #tpu.memory_space<hbm>> -> memref<1000000x128xf32, #tpu.memory_space<hbm>>
    tpu.enqueue_indirect_dma source(%dma_start3A_16 : memref<1000000x128xf32, #tpu.memory_space<hbm>>) target(%arg10 : memref<128x128xf32, #tpu.memory_space<vmem>>) offsets(%dma_start3A_13 : memref<128xi32, #tpu.memory_space<vmem>>) semaphore(%arg14 : memref<!tpu.dma_semaphore, #tpu.memory_space<semaphore_mem>>)
    %dma_start3A_17 = arith.constant 384 : i32
    %dma_start3A_18 = tpu.memref_slice %arg7[%dma_start3A_17] : memref<512xi32, #tpu.memory_space<vmem>> -> memref<128xi32, #tpu.memory_space<vmem>>
    %dma_start3A_19 = arith.constant 0 : i32
    %dma_start3A_20 = arith.constant 0 : i32
    %dma_start3A_21 = tpu.memref_slice %arg2[%dma_start3A_19, %dma_start3A_20] : memref<1000000x128xf32, #tpu.memory_space<hbm>> -> memref<1000000x128xf32, #tpu.memory_space<hbm>>
    tpu.enqueue_indirect_dma source(%dma_start3A_21 : memref<1000000x128xf32, #tpu.memory_space<hbm>>) target(%arg11 : memref<128x128xf32, #tpu.memory_space<vmem>>) offsets(%dma_start3A_18 : memref<128xi32, #tpu.memory_space<vmem>>) semaphore(%arg15 : memref<!tpu.dma_semaphore, #tpu.memory_space<semaphore_mem>>)
    %dma_wait3A = arith.constant 0 : i32
    %dma_wait3A_22 = arith.constant 0 : i32
    %dma_wait3A_23 = tpu.memref_slice %arg2[%dma_wait3A, %dma_wait3A_22] : memref<1000000x128xf32, #tpu.memory_space<hbm>> -> memref<128x128xf32, #tpu.memory_space<hbm>>
    %dma_wait3A_24 = arith.constant 0 : i32
    %dma_wait3A_25 = arith.constant 0 : i32
    %dma_wait3A_26 = tpu.memref_slice %arg2[%dma_wait3A_24, %dma_wait3A_25] : memref<1000000x128xf32, #tpu.memory_space<hbm>> -> memref<128x128xf32, #tpu.memory_space<hbm>>
    tpu.wait_dma2 semaphore(%arg12 : memref<!tpu.dma_semaphore, #tpu.memory_space<semaphore_mem>>) src(%dma_wait3A_26 : memref<128x128xf32, #tpu.memory_space<hbm>>) dst(%arg8 : memref<128x128xf32, #tpu.memory_space<vmem>>)
    %add3A_27 = arith.constant 0 : i32
    %add3A_28 = arith.addi %mul3A_2, %add3A_27 : i32
    %dma_start3A_29 = arith.constant 0 : i32
    %dma_start3A_30 = tpu.memref_slice %arg5[%add3A_28, %dma_start3A_29] : memref<16384x128xf32, #tpu.memory_space<hbm>> -> memref<128x128xf32, #tpu.memory_space<hbm>>
    %dma_start3A_31 = arith.constant 0 : i32
    %dma_start3A_32 = tpu.memref_slice %arg5[%add3A_28, %dma_start3A_31] : memref<16384x128xf32, #tpu.memory_space<hbm>> -> memref<128x128xf32, #tpu.memory_space<hbm>>
    tpu.enqueue_dma source(%arg8 : memref<128x128xf32, #tpu.memory_space<vmem>>) target(%dma_start3A_32 : memref<128x128xf32, #tpu.memory_space<hbm>>) target_semaphore(%arg16 : memref<!tpu.dma_semaphore, #tpu.memory_space<semaphore_mem>>)
    %dma_wait3A_33 = arith.constant 0 : i32
    %dma_wait3A_34 = tpu.memref_slice %arg5[%mul3A_2, %dma_wait3A_33] : memref<16384x128xf32, #tpu.memory_space<hbm>> -> memref<128x128xf32, #tpu.memory_space<hbm>>
    %dma_wait3A_35 = arith.constant 0 : i32
    %dma_wait3A_36 = tpu.memref_slice %arg5[%mul3A_2, %dma_wait3A_35] : memref<16384x128xf32, #tpu.memory_space<hbm>> -> memref<128x128xf32, #tpu.memory_space<hbm>>
    tpu.wait_dma2 semaphore(%arg16 : memref<!tpu.dma_semaphore, #tpu.memory_space<semaphore_mem>>) src(%arg8 : memref<128x128xf32, #tpu.memory_space<vmem>>) dst(%dma_wait3A_36 : memref<128x128xf32, #tpu.memory_space<hbm>>)
    %dma_start3A_37 = arith.constant 0 : i32
    %dma_start3A_38 = tpu.memref_slice %arg7[%dma_start3A_37] : memref<512xi32, #tpu.memory_space<vmem>> -> memref<128xi32, #tpu.memory_space<vmem>>
    %dma_start3A_39 = arith.constant 0 : i32
    %dma_start3A_40 = arith.constant 0 : i32
    %dma_start3A_41 = tpu.memref_slice %arg3[%dma_start3A_39, %dma_start3A_40] : memref<1000000x128xf32, #tpu.memory_space<hbm>> -> memref<1000000x128xf32, #tpu.memory_space<hbm>>
    tpu.enqueue_indirect_dma source(%dma_start3A_41 : memref<1000000x128xf32, #tpu.memory_space<hbm>>) target(%arg8 : memref<128x128xf32, #tpu.memory_space<vmem>>) offsets(%dma_start3A_38 : memref<128xi32, #tpu.memory_space<vmem>>) semaphore(%arg12 : memref<!tpu.dma_semaphore, #tpu.memory_space<semaphore_mem>>)
    %dma_wait3A_42 = arith.constant 0 : i32
    %dma_wait3A_43 = arith.constant 0 : i32
    %dma_wait3A_44 = tpu.memref_slice %arg2[%dma_wait3A_42, %dma_wait3A_43] : memref<1000000x128xf32, #tpu.memory_space<hbm>> -> memref<128x128xf32, #tpu.memory_space<hbm>>
    %dma_wait3A_45 = arith.constant 0 : i32
    %dma_wait3A_46 = arith.constant 0 : i32
    %dma_wait3A_47 = tpu.memref_slice %arg2[%dma_wait3A_45, %dma_wait3A_46] : memref<1000000x128xf32, #tpu.memory_space<hbm>> -> memref<128x128xf32, #tpu.memory_space<hbm>>
    tpu.wait_dma2 semaphore(%arg13 : memref<!tpu.dma_semaphore, #tpu.memory_space<semaphore_mem>>) src(%dma_wait3A_47 : memref<128x128xf32, #tpu.memory_space<hbm>>) dst(%arg9 : memref<128x128xf32, #tpu.memory_space<vmem>>)
    %add3A_48 = arith.constant 128 : i32
    %add3A_49 = arith.addi %mul3A_2, %add3A_48 : i32
    %dma_start3A_50 = arith.constant 0 : i32
    %dma_start3A_51 = tpu.memref_slice %arg5[%add3A_49, %dma_start3A_50] : memref<16384x128xf32, #tpu.memory_space<hbm>> -> memref<128x128xf32, #tpu.memory_space<hbm>>
    %dma_start3A_52 = arith.constant 0 : i32
    %dma_start3A_53 = tpu.memref_slice %arg5[%add3A_49, %dma_start3A_52] : memref<16384x128xf32, #tpu.memory_space<hbm>> -> memref<128x128xf32, #tpu.memory_space<hbm>>
    tpu.enqueue_dma source(%arg9 : memref<128x128xf32, #tpu.memory_space<vmem>>) target(%dma_start3A_53 : memref<128x128xf32, #tpu.memory_space<hbm>>) target_semaphore(%arg17 : memref<!tpu.dma_semaphore, #tpu.memory_space<semaphore_mem>>)
    %dma_wait3A_54 = arith.constant 0 : i32
    %dma_wait3A_55 = tpu.memref_slice %arg5[%mul3A_2, %dma_wait3A_54] : memref<16384x128xf32, #tpu.memory_space<hbm>> -> memref<128x128xf32, #tpu.memory_space<hbm>>
    %dma_wait3A_56 = arith.constant 0 : i32
    %dma_wait3A_57 = tpu.memref_slice %arg5[%mul3A_2, %dma_wait3A_56] : memref<16384x128xf32, #tpu.memory_space<hbm>> -> memref<128x128xf32, #tpu.memory_space<hbm>>
    tpu.wait_dma2 semaphore(%arg17 : memref<!tpu.dma_semaphore, #tpu.memory_space<semaphore_mem>>) src(%arg9 : memref<128x128xf32, #tpu.memory_space<vmem>>) dst(%dma_wait3A_57 : memref<128x128xf32, #tpu.memory_space<hbm>>)
    %dma_start3A_58 = arith.constant 128 : i32
    %dma_start3A_59 = tpu.memref_slice %arg7[%dma_start3A_58] : memref<512xi32, #tpu.memory_space<vmem>> -> memref<128xi32, #tpu.memory_space<vmem>>
    %dma_start3A_60 = arith.constant 0 : i32
    %dma_start3A_61 = arith.constant 0 : i32
    %dma_start3A_62 = tpu.memref_slice %arg3[%dma_start3A_60, %dma_start3A_61] : memref<1000000x128xf32, #tpu.memory_space<hbm>> -> memref<1000000x128xf32, #tpu.memory_space<hbm>>
    tpu.enqueue_indirect_dma source(%dma_start3A_62 : memref<1000000x128xf32, #tpu.memory_space<hbm>>) target(%arg9 : memref<128x128xf32, #tpu.memory_space<vmem>>) offsets(%dma_start3A_59 : memref<128xi32, #tpu.memory_space<vmem>>) semaphore(%arg13 : memref<!tpu.dma_semaphore, #tpu.memory_space<semaphore_mem>>)
    %dma_wait3A_63 = arith.constant 0 : i32
    %dma_wait3A_64 = arith.constant 0 : i32
    %dma_wait3A_65 = tpu.memref_slice %arg2[%dma_wait3A_63, %dma_wait3A_64] : memref<1000000x128xf32, #tpu.memory_space<hbm>> -> memref<128x128xf32, #tpu.memory_space<hbm>>
    %dma_wait3A_66 = arith.constant 0 : i32
    %dma_wait3A_67 = arith.constant 0 : i32
    %dma_wait3A_68 = tpu.memref_slice %arg2[%dma_wait3A_66, %dma_wait3A_67] : memref<1000000x128xf32, #tpu.memory_space<hbm>> -> memref<128x128xf32, #tpu.memory_space<hbm>>
    tpu.wait_dma2 semaphore(%arg14 : memref<!tpu.dma_semaphore, #tpu.memory_space<semaphore_mem>>) src(%dma_wait3A_68 : memref<128x128xf32, #tpu.memory_space<hbm>>) dst(%arg10 : memref<128x128xf32, #tpu.memory_space<vmem>>)
    %add3A_69 = arith.constant 256 : i32
    %add3A_70 = arith.addi %mul3A_2, %add3A_69 : i32
    %dma_start3A_71 = arith.constant 0 : i32
    %dma_start3A_72 = tpu.memref_slice %arg5[%add3A_70, %dma_start3A_71] : memref<16384x128xf32, #tpu.memory_space<hbm>> -> memref<128x128xf32, #tpu.memory_space<hbm>>
    %dma_start3A_73 = arith.constant 0 : i32
    %dma_start3A_74 = tpu.memref_slice %arg5[%add3A_70, %dma_start3A_73] : memref<16384x128xf32, #tpu.memory_space<hbm>> -> memref<128x128xf32, #tpu.memory_space<hbm>>
    tpu.enqueue_dma source(%arg10 : memref<128x128xf32, #tpu.memory_space<vmem>>) target(%dma_start3A_74 : memref<128x128xf32, #tpu.memory_space<hbm>>) target_semaphore(%arg18 : memref<!tpu.dma_semaphore, #tpu.memory_space<semaphore_mem>>)
    %dma_wait3A_75 = arith.constant 0 : i32
    %dma_wait3A_76 = tpu.memref_slice %arg5[%mul3A_2, %dma_wait3A_75] : memref<16384x128xf32, #tpu.memory_space<hbm>> -> memref<128x128xf32, #tpu.memory_space<hbm>>
    %dma_wait3A_77 = arith.constant 0 : i32
    %dma_wait3A_78 = tpu.memref_slice %arg5[%mul3A_2, %dma_wait3A_77] : memref<16384x128xf32, #tpu.memory_space<hbm>> -> memref<128x128xf32, #tpu.memory_space<hbm>>
    tpu.wait_dma2 semaphore(%arg18 : memref<!tpu.dma_semaphore, #tpu.memory_space<semaphore_mem>>) src(%arg10 : memref<128x128xf32, #tpu.memory_space<vmem>>) dst(%dma_wait3A_78 : memref<128x128xf32, #tpu.memory_space<hbm>>)
    %dma_start3A_79 = arith.constant 256 : i32
    %dma_start3A_80 = tpu.memref_slice %arg7[%dma_start3A_79] : memref<512xi32, #tpu.memory_space<vmem>> -> memref<128xi32, #tpu.memory_space<vmem>>
    %dma_start3A_81 = arith.constant 0 : i32
    %dma_start3A_82 = arith.constant 0 : i32
    %dma_start3A_83 = tpu.memref_slice %arg3[%dma_start3A_81, %dma_start3A_82] : memref<1000000x128xf32, #tpu.memory_space<hbm>> -> memref<1000000x128xf32, #tpu.memory_space<hbm>>
    tpu.enqueue_indirect_dma source(%dma_start3A_83 : memref<1000000x128xf32, #tpu.memory_space<hbm>>) target(%arg10 : memref<128x128xf32, #tpu.memory_space<vmem>>) offsets(%dma_start3A_80 : memref<128xi32, #tpu.memory_space<vmem>>) semaphore(%arg14 : memref<!tpu.dma_semaphore, #tpu.memory_space<semaphore_mem>>)
    %dma_wait3A_84 = arith.constant 0 : i32
    %dma_wait3A_85 = arith.constant 0 : i32
    %dma_wait3A_86 = tpu.memref_slice %arg2[%dma_wait3A_84, %dma_wait3A_85] : memref<1000000x128xf32, #tpu.memory_space<hbm>> -> memref<128x128xf32, #tpu.memory_space<hbm>>
    %dma_wait3A_87 = arith.constant 0 : i32
    %dma_wait3A_88 = arith.constant 0 : i32
    %dma_wait3A_89 = tpu.memref_slice %arg2[%dma_wait3A_87, %dma_wait3A_88] : memref<1000000x128xf32, #tpu.memory_space<hbm>> -> memref<128x128xf32, #tpu.memory_space<hbm>>
    tpu.wait_dma2 semaphore(%arg15 : memref<!tpu.dma_semaphore, #tpu.memory_space<semaphore_mem>>) src(%dma_wait3A_89 : memref<128x128xf32, #tpu.memory_space<hbm>>) dst(%arg11 : memref<128x128xf32, #tpu.memory_space<vmem>>)
    %add3A_90 = arith.constant 384 : i32
    %add3A_91 = arith.addi %mul3A_2, %add3A_90 : i32
    %dma_start3A_92 = arith.constant 0 : i32
    %dma_start3A_93 = tpu.memref_slice %arg5[%add3A_91, %dma_start3A_92] : memref<16384x128xf32, #tpu.memory_space<hbm>> -> memref<128x128xf32, #tpu.memory_space<hbm>>
    %dma_start3A_94 = arith.constant 0 : i32
    %dma_start3A_95 = tpu.memref_slice %arg5[%add3A_91, %dma_start3A_94] : memref<16384x128xf32, #tpu.memory_space<hbm>> -> memref<128x128xf32, #tpu.memory_space<hbm>>
    tpu.enqueue_dma source(%arg11 : memref<128x128xf32, #tpu.memory_space<vmem>>) target(%dma_start3A_95 : memref<128x128xf32, #tpu.memory_space<hbm>>) target_semaphore(%arg19 : memref<!tpu.dma_semaphore, #tpu.memory_space<semaphore_mem>>)
    %dma_wait3A_96 = arith.constant 0 : i32
    %dma_wait3A_97 = tpu.memref_slice %arg5[%mul3A_2, %dma_wait3A_96] : memref<16384x128xf32, #tpu.memory_space<hbm>> -> memref<128x128xf32, #tpu.memory_space<hbm>>
    %dma_wait3A_98 = arith.constant 0 : i32
    %dma_wait3A_99 = tpu.memref_slice %arg5[%mul3A_2, %dma_wait3A_98] : memref<16384x128xf32, #tpu.memory_space<hbm>> -> memref<128x128xf32, #tpu.memory_space<hbm>>
    tpu.wait_dma2 semaphore(%arg19 : memref<!tpu.dma_semaphore, #tpu.memory_space<semaphore_mem>>) src(%arg11 : memref<128x128xf32, #tpu.memory_space<vmem>>) dst(%dma_wait3A_99 : memref<128x128xf32, #tpu.memory_space<hbm>>)
    %dma_start3A_100 = arith.constant 384 : i32
    %dma_start3A_101 = tpu.memref_slice %arg7[%dma_start3A_100] : memref<512xi32, #tpu.memory_space<vmem>> -> memref<128xi32, #tpu.memory_space<vmem>>
    %dma_start3A_102 = arith.constant 0 : i32
    %dma_start3A_103 = arith.constant 0 : i32
    %dma_start3A_104 = tpu.memref_slice %arg3[%dma_start3A_102, %dma_start3A_103] : memref<1000000x128xf32, #tpu.memory_space<hbm>> -> memref<1000000x128xf32, #tpu.memory_space<hbm>>
    tpu.enqueue_indirect_dma source(%dma_start3A_104 : memref<1000000x128xf32, #tpu.memory_space<hbm>>) target(%arg11 : memref<128x128xf32, #tpu.memory_space<vmem>>) offsets(%dma_start3A_101 : memref<128xi32, #tpu.memory_space<vmem>>) semaphore(%arg15 : memref<!tpu.dma_semaphore, #tpu.memory_space<semaphore_mem>>)
    %dma_wait3A_105 = arith.constant 0 : i32
    %dma_wait3A_106 = arith.constant 0 : i32
    %dma_wait3A_107 = tpu.memref_slice %arg2[%dma_wait3A_105, %dma_wait3A_106] : memref<1000000x128xf32, #tpu.memory_space<hbm>> -> memref<128x128xf32, #tpu.memory_space<hbm>>
    %dma_wait3A_108 = arith.constant 0 : i32
    %dma_wait3A_109 = arith.constant 0 : i32
    %dma_wait3A_110 = tpu.memref_slice %arg2[%dma_wait3A_108, %dma_wait3A_109] : memref<1000000x128xf32, #tpu.memory_space<hbm>> -> memref<128x128xf32, #tpu.memory_space<hbm>>
    tpu.wait_dma2 semaphore(%arg12 : memref<!tpu.dma_semaphore, #tpu.memory_space<semaphore_mem>>) src(%dma_wait3A_110 : memref<128x128xf32, #tpu.memory_space<hbm>>) dst(%arg8 : memref<128x128xf32, #tpu.memory_space<vmem>>)
    %add3A_111 = arith.constant 0 : i32
    %add3A_112 = arith.addi %mul3A_2, %add3A_111 : i32
    %dma_start3A_113 = arith.constant 0 : i32
    %dma_start3A_114 = tpu.memref_slice %arg6[%add3A_112, %dma_start3A_113] : memref<16384x128xf32, #tpu.memory_space<hbm>> -> memref<128x128xf32, #tpu.memory_space<hbm>>
    %dma_start3A_115 = arith.constant 0 : i32
    %dma_start3A_116 = tpu.memref_slice %arg6[%add3A_112, %dma_start3A_115] : memref<16384x128xf32, #tpu.memory_space<hbm>> -> memref<128x128xf32, #tpu.memory_space<hbm>>
    tpu.enqueue_dma source(%arg8 : memref<128x128xf32, #tpu.memory_space<vmem>>) target(%dma_start3A_116 : memref<128x128xf32, #tpu.memory_space<hbm>>) target_semaphore(%arg16 : memref<!tpu.dma_semaphore, #tpu.memory_space<semaphore_mem>>)
    %dma_wait3A_117 = arith.constant 0 : i32
    %dma_wait3A_118 = arith.constant 0 : i32
    %dma_wait3A_119 = tpu.memref_slice %arg2[%dma_wait3A_117, %dma_wait3A_118] : memref<1000000x128xf32, #tpu.memory_space<hbm>> -> memref<128x128xf32, #tpu.memory_space<hbm>>
    %dma_wait3A_120 = arith.constant 0 : i32
    %dma_wait3A_121 = arith.constant 0 : i32
    %dma_wait3A_122 = tpu.memref_slice %arg2[%dma_wait3A_120, %dma_wait3A_121] : memref<1000000x128xf32, #tpu.memory_space<hbm>> -> memref<128x128xf32, #tpu.memory_space<hbm>>
    tpu.wait_dma2 semaphore(%arg13 : memref<!tpu.dma_semaphore, #tpu.memory_space<semaphore_mem>>) src(%dma_wait3A_122 : memref<128x128xf32, #tpu.memory_space<hbm>>) dst(%arg9 : memref<128x128xf32, #tpu.memory_space<vmem>>)
    %add3A_123 = arith.constant 128 : i32
    %add3A_124 = arith.addi %mul3A_2, %add3A_123 : i32
    %dma_start3A_125 = arith.constant 0 : i32
    %dma_start3A_126 = tpu.memref_slice %arg6[%add3A_124, %dma_start3A_125] : memref<16384x128xf32, #tpu.memory_space<hbm>> -> memref<128x128xf32, #tpu.memory_space<hbm>>
    %dma_start3A_127 = arith.constant 0 : i32
    %dma_start3A_128 = tpu.memref_slice %arg6[%add3A_124, %dma_start3A_127] : memref<16384x128xf32, #tpu.memory_space<hbm>> -> memref<128x128xf32, #tpu.memory_space<hbm>>
    tpu.enqueue_dma source(%arg9 : memref<128x128xf32, #tpu.memory_space<vmem>>) target(%dma_start3A_128 : memref<128x128xf32, #tpu.memory_space<hbm>>) target_semaphore(%arg17 : memref<!tpu.dma_semaphore, #tpu.memory_space<semaphore_mem>>)
    %dma_wait3A_129 = arith.constant 0 : i32
    %dma_wait3A_130 = arith.constant 0 : i32
    %dma_wait3A_131 = tpu.memref_slice %arg2[%dma_wait3A_129, %dma_wait3A_130] : memref<1000000x128xf32, #tpu.memory_space<hbm>> -> memref<128x128xf32, #tpu.memory_space<hbm>>
    %dma_wait3A_132 = arith.constant 0 : i32
    %dma_wait3A_133 = arith.constant 0 : i32
    %dma_wait3A_134 = tpu.memref_slice %arg2[%dma_wait3A_132, %dma_wait3A_133] : memref<1000000x128xf32, #tpu.memory_space<hbm>> -> memref<128x128xf32, #tpu.memory_space<hbm>>
    tpu.wait_dma2 semaphore(%arg14 : memref<!tpu.dma_semaphore, #tpu.memory_space<semaphore_mem>>) src(%dma_wait3A_134 : memref<128x128xf32, #tpu.memory_space<hbm>>) dst(%arg10 : memref<128x128xf32, #tpu.memory_space<vmem>>)
    %add3A_135 = arith.constant 256 : i32
    %add3A_136 = arith.addi %mul3A_2, %add3A_135 : i32
    %dma_start3A_137 = arith.constant 0 : i32
    %dma_start3A_138 = tpu.memref_slice %arg6[%add3A_136, %dma_start3A_137] : memref<16384x128xf32, #tpu.memory_space<hbm>> -> memref<128x128xf32, #tpu.memory_space<hbm>>
    %dma_start3A_139 = arith.constant 0 : i32
    %dma_start3A_140 = tpu.memref_slice %arg6[%add3A_136, %dma_start3A_139] : memref<16384x128xf32, #tpu.memory_space<hbm>> -> memref<128x128xf32, #tpu.memory_space<hbm>>
    tpu.enqueue_dma source(%arg10 : memref<128x128xf32, #tpu.memory_space<vmem>>) target(%dma_start3A_140 : memref<128x128xf32, #tpu.memory_space<hbm>>) target_semaphore(%arg18 : memref<!tpu.dma_semaphore, #tpu.memory_space<semaphore_mem>>)
    %dma_wait3A_141 = arith.constant 0 : i32
    %dma_wait3A_142 = arith.constant 0 : i32
    %dma_wait3A_143 = tpu.memref_slice %arg2[%dma_wait3A_141, %dma_wait3A_142] : memref<1000000x128xf32, #tpu.memory_space<hbm>> -> memref<128x128xf32, #tpu.memory_space<hbm>>
    %dma_wait3A_144 = arith.constant 0 : i32
    %dma_wait3A_145 = arith.constant 0 : i32
    %dma_wait3A_146 = tpu.memref_slice %arg2[%dma_wait3A_144, %dma_wait3A_145] : memref<1000000x128xf32, #tpu.memory_space<hbm>> -> memref<128x128xf32, #tpu.memory_space<hbm>>
    tpu.wait_dma2 semaphore(%arg15 : memref<!tpu.dma_semaphore, #tpu.memory_space<semaphore_mem>>) src(%dma_wait3A_146 : memref<128x128xf32, #tpu.memory_space<hbm>>) dst(%arg11 : memref<128x128xf32, #tpu.memory_space<vmem>>)
    %add3A_147 = arith.constant 384 : i32
    %add3A_148 = arith.addi %mul3A_2, %add3A_147 : i32
    %dma_start3A_149 = arith.constant 0 : i32
    %dma_start3A_150 = tpu.memref_slice %arg6[%add3A_148, %dma_start3A_149] : memref<16384x128xf32, #tpu.memory_space<hbm>> -> memref<128x128xf32, #tpu.memory_space<hbm>>
    %dma_start3A_151 = arith.constant 0 : i32
    %dma_start3A_152 = tpu.memref_slice %arg6[%add3A_148, %dma_start3A_151] : memref<16384x128xf32, #tpu.memory_space<hbm>> -> memref<128x128xf32, #tpu.memory_space<hbm>>
    tpu.enqueue_dma source(%arg11 : memref<128x128xf32, #tpu.memory_space<vmem>>) target(%dma_start3A_152 : memref<128x128xf32, #tpu.memory_space<hbm>>) target_semaphore(%arg19 : memref<!tpu.dma_semaphore, #tpu.memory_space<semaphore_mem>>)
    %dma_wait3A_153 = arith.constant 0 : i32
    %dma_wait3A_154 = tpu.memref_slice %arg6[%mul3A_2, %dma_wait3A_153] : memref<16384x128xf32, #tpu.memory_space<hbm>> -> memref<128x128xf32, #tpu.memory_space<hbm>>
    %dma_wait3A_155 = arith.constant 0 : i32
    %dma_wait3A_156 = tpu.memref_slice %arg6[%mul3A_2, %dma_wait3A_155] : memref<16384x128xf32, #tpu.memory_space<hbm>> -> memref<128x128xf32, #tpu.memory_space<hbm>>
    tpu.wait_dma2 semaphore(%arg16 : memref<!tpu.dma_semaphore, #tpu.memory_space<semaphore_mem>>) src(%arg8 : memref<128x128xf32, #tpu.memory_space<vmem>>) dst(%dma_wait3A_156 : memref<128x128xf32, #tpu.memory_space<hbm>>)
    %dma_wait3A_157 = arith.constant 0 : i32
    %dma_wait3A_158 = tpu.memref_slice %arg6[%mul3A_2, %dma_wait3A_157] : memref<16384x128xf32, #tpu.memory_space<hbm>> -> memref<128x128xf32, #tpu.memory_space<hbm>>
    %dma_wait3A_159 = arith.constant 0 : i32
    %dma_wait3A_160 = tpu.memref_slice %arg6[%mul3A_2, %dma_wait3A_159] : memref<16384x128xf32, #tpu.memory_space<hbm>> -> memref<128x128xf32, #tpu.memory_space<hbm>>
    tpu.wait_dma2 semaphore(%arg17 : memref<!tpu.dma_semaphore, #tpu.memory_space<semaphore_mem>>) src(%arg9 : memref<128x128xf32, #tpu.memory_space<vmem>>) dst(%dma_wait3A_160 : memref<128x128xf32, #tpu.memory_space<hbm>>)
    %dma_wait3A_161 = arith.constant 0 : i32
    %dma_wait3A_162 = tpu.memref_slice %arg6[%mul3A_2, %dma_wait3A_161] : memref<16384x128xf32, #tpu.memory_space<hbm>> -> memref<128x128xf32, #tpu.memory_space<hbm>>
    %dma_wait3A_163 = arith.constant 0 : i32
    %dma_wait3A_164 = tpu.memref_slice %arg6[%mul3A_2, %dma_wait3A_163] : memref<16384x128xf32, #tpu.memory_space<hbm>> -> memref<128x128xf32, #tpu.memory_space<hbm>>
    tpu.wait_dma2 semaphore(%arg18 : memref<!tpu.dma_semaphore, #tpu.memory_space<semaphore_mem>>) src(%arg10 : memref<128x128xf32, #tpu.memory_space<vmem>>) dst(%dma_wait3A_164 : memref<128x128xf32, #tpu.memory_space<hbm>>)
    %dma_wait3A_165 = arith.constant 0 : i32
    %dma_wait3A_166 = tpu.memref_slice %arg6[%mul3A_2, %dma_wait3A_165] : memref<16384x128xf32, #tpu.memory_space<hbm>> -> memref<128x128xf32, #tpu.memory_space<hbm>>
    %dma_wait3A_167 = arith.constant 0 : i32
    %dma_wait3A_168 = tpu.memref_slice %arg6[%mul3A_2, %dma_wait3A_167] : memref<16384x128xf32, #tpu.memory_space<hbm>> -> memref<128x128xf32, #tpu.memory_space<hbm>>
    tpu.wait_dma2 semaphore(%arg19 : memref<!tpu.dma_semaphore, #tpu.memory_space<semaphore_mem>>) src(%arg11 : memref<128x128xf32, #tpu.memory_space<vmem>>) dst(%dma_wait3A_168 : memref<128x128xf32, #tpu.memory_space<hbm>>)
    return
  }
}

#map = affine_map<(d0, d1) -> (0, 0)>
#map1 = affine_map<(d0, d1) -> (0)>
module attributes {stable_mosaic.version = 14 : i64} {
  func.func @_gather2_body(%arg0: i32, %arg1: i32, %arg2: memref<1000x128xf32, #tpu.memory_space<hbm>>, %arg3: memref<1000x128xf32, #tpu.memory_space<hbm>>, %arg4: memref<1000000x128xf32, #tpu.memory_space<hbm>>, %arg5: memref<1000000x128xf32, #tpu.memory_space<hbm>>, %arg6: memref<16384xi32, #tpu.memory_space<hbm>>, %arg7: memref<16384xi32, #tpu.memory_space<hbm>>, %arg8: memref<16384x128xf32, #tpu.memory_space<hbm>>, %arg9: memref<16384x128xf32, #tpu.memory_space<hbm>>, %arg10: memref<16384x128xf32, #tpu.memory_space<hbm>>, %arg11: memref<16384x128xf32, #tpu.memory_space<hbm>>, %arg12: memref<512xi32, #tpu.memory_space<vmem>>, %arg13: memref<512xi32, #tpu.memory_space<vmem>>, %arg14: memref<128x128xf32, #tpu.memory_space<vmem>>, %arg15: memref<128x128xf32, #tpu.memory_space<vmem>>, %arg16: memref<128x128xf32, #tpu.memory_space<vmem>>, %arg17: memref<128x128xf32, #tpu.memory_space<vmem>>, %arg18: memref<!tpu.dma_semaphore, #tpu.memory_space<semaphore_mem>>, %arg19: memref<!tpu.dma_semaphore, #tpu.memory_space<semaphore_mem>>, %arg20: memref<!tpu.dma_semaphore, #tpu.memory_space<semaphore_mem>>, %arg21: memref<!tpu.dma_semaphore, #tpu.memory_space<semaphore_mem>>, %arg22: memref<!tpu.dma_semaphore, #tpu.memory_space<semaphore_mem>>, %arg23: memref<!tpu.dma_semaphore, #tpu.memory_space<semaphore_mem>>, %arg24: memref<!tpu.dma_semaphore, #tpu.memory_space<semaphore_mem>>, %arg25: memref<!tpu.dma_semaphore, #tpu.memory_space<semaphore_mem>>) attributes {dimension_semantics = [#tpu.dimension_semantics<core_parallel>, #tpu.dimension_semantics<subcore_parallel>], iteration_bounds = array<i64: 2, 16>, scalar_prefetch = 0 : i64, scratch_operands = 14 : i64, tpu.core_type = #tpu.core_type<sc_vector_subcore>, window_params = [{transform_indices = #map}, {transform_indices = #map}, {transform_indices = #map}, {transform_indices = #map}, {transform_indices = #map1}, {transform_indices = #map1}, {transform_indices = #map}, {transform_indices = #map}, {transform_indices = #map}, {transform_indices = #map}]} {
    %mul3A = arith.constant 2 : i32
    %mul3A_0 = arith.muli %arg1, %mul3A : i32
    %add3A = arith.addi %mul3A_0, %arg0 : i32
    %mul3A_1 = arith.constant 512 : i32
    %mul3A_2 = arith.muli %add3A, %mul3A_1 : i32
    "tpu.region"() ({
      %run_scoped3A = tpu.sem_alloc : memref<!tpu.dma_semaphore, #tpu.memory_space<semaphore_mem>>
      %dma_start3A_337 = tpu.memref_slice %arg6[%mul3A_2] : memref<16384xi32, #tpu.memory_space<hbm>> -> memref<512xi32, #tpu.memory_space<hbm>>
      %dma_start3A_338 = tpu.memref_slice %arg6[%mul3A_2] : memref<16384xi32, #tpu.memory_space<hbm>> -> memref<512xi32, #tpu.memory_space<hbm>>
      tpu.enqueue_dma source(%dma_start3A_338 : memref<512xi32, #tpu.memory_space<hbm>>) target(%arg12 : memref<512xi32, #tpu.memory_space<vmem>>) target_semaphore(%run_scoped3A : memref<!tpu.dma_semaphore, #tpu.memory_space<semaphore_mem>>)
      %dma_wait3A_339 = tpu.memref_slice %arg6[%mul3A_2] : memref<16384xi32, #tpu.memory_space<hbm>> -> memref<512xi32, #tpu.memory_space<hbm>>
      %dma_wait3A_340 = tpu.memref_slice %arg6[%mul3A_2] : memref<16384xi32, #tpu.memory_space<hbm>> -> memref<512xi32, #tpu.memory_space<hbm>>
      tpu.wait_dma2 semaphore(%run_scoped3A : memref<!tpu.dma_semaphore, #tpu.memory_space<semaphore_mem>>) src(%dma_wait3A_340 : memref<512xi32, #tpu.memory_space<hbm>>) dst(%arg12 : memref<512xi32, #tpu.memory_space<vmem>>)
      tpu.yield
    }) : () -> ()
    "tpu.region"() ({
      %run_scoped3A = tpu.sem_alloc : memref<!tpu.dma_semaphore, #tpu.memory_space<semaphore_mem>>
      %dma_start3A_337 = tpu.memref_slice %arg7[%mul3A_2] : memref<16384xi32, #tpu.memory_space<hbm>> -> memref<512xi32, #tpu.memory_space<hbm>>
      %dma_start3A_338 = tpu.memref_slice %arg7[%mul3A_2] : memref<16384xi32, #tpu.memory_space<hbm>> -> memref<512xi32, #tpu.memory_space<hbm>>
      tpu.enqueue_dma source(%dma_start3A_338 : memref<512xi32, #tpu.memory_space<hbm>>) target(%arg13 : memref<512xi32, #tpu.memory_space<vmem>>) target_semaphore(%run_scoped3A : memref<!tpu.dma_semaphore, #tpu.memory_space<semaphore_mem>>)
      %dma_wait3A_339 = tpu.memref_slice %arg7[%mul3A_2] : memref<16384xi32, #tpu.memory_space<hbm>> -> memref<512xi32, #tpu.memory_space<hbm>>
      %dma_wait3A_340 = tpu.memref_slice %arg7[%mul3A_2] : memref<16384xi32, #tpu.memory_space<hbm>> -> memref<512xi32, #tpu.memory_space<hbm>>
      tpu.wait_dma2 semaphore(%run_scoped3A : memref<!tpu.dma_semaphore, #tpu.memory_space<semaphore_mem>>) src(%dma_wait3A_340 : memref<512xi32, #tpu.memory_space<hbm>>) dst(%arg13 : memref<512xi32, #tpu.memory_space<vmem>>)
      tpu.yield
    }) : () -> ()
    %dma_start3A = arith.constant 0 : i32
    %dma_start3A_3 = tpu.memref_slice %arg12[%dma_start3A] : memref<512xi32, #tpu.memory_space<vmem>> -> memref<128xi32, #tpu.memory_space<vmem>>
    %dma_start3A_4 = arith.constant 0 : i32
    %dma_start3A_5 = arith.constant 0 : i32
    %dma_start3A_6 = tpu.memref_slice %arg2[%dma_start3A_4, %dma_start3A_5] : memref<1000x128xf32, #tpu.memory_space<hbm>> -> memref<1000x128xf32, #tpu.memory_space<hbm>>
    tpu.enqueue_indirect_dma source(%dma_start3A_6 : memref<1000x128xf32, #tpu.memory_space<hbm>>) target(%arg14 : memref<128x128xf32, #tpu.memory_space<vmem>>) offsets(%dma_start3A_3 : memref<128xi32, #tpu.memory_space<vmem>>) semaphore(%arg18 : memref<!tpu.dma_semaphore, #tpu.memory_space<semaphore_mem>>)
    %dma_start3A_7 = arith.constant 128 : i32
    %dma_start3A_8 = tpu.memref_slice %arg12[%dma_start3A_7] : memref<512xi32, #tpu.memory_space<vmem>> -> memref<128xi32, #tpu.memory_space<vmem>>
    %dma_start3A_9 = arith.constant 0 : i32
    %dma_start3A_10 = arith.constant 0 : i32
    %dma_start3A_11 = tpu.memref_slice %arg2[%dma_start3A_9, %dma_start3A_10] : memref<1000x128xf32, #tpu.memory_space<hbm>> -> memref<1000x128xf32, #tpu.memory_space<hbm>>
    tpu.enqueue_indirect_dma source(%dma_start3A_11 : memref<1000x128xf32, #tpu.memory_space<hbm>>) target(%arg15 : memref<128x128xf32, #tpu.memory_space<vmem>>) offsets(%dma_start3A_8 : memref<128xi32, #tpu.memory_space<vmem>>) semaphore(%arg19 : memref<!tpu.dma_semaphore, #tpu.memory_space<semaphore_mem>>)
    %dma_start3A_12 = arith.constant 256 : i32
    %dma_start3A_13 = tpu.memref_slice %arg12[%dma_start3A_12] : memref<512xi32, #tpu.memory_space<vmem>> -> memref<128xi32, #tpu.memory_space<vmem>>
    %dma_start3A_14 = arith.constant 0 : i32
    %dma_start3A_15 = arith.constant 0 : i32
    %dma_start3A_16 = tpu.memref_slice %arg2[%dma_start3A_14, %dma_start3A_15] : memref<1000x128xf32, #tpu.memory_space<hbm>> -> memref<1000x128xf32, #tpu.memory_space<hbm>>
    tpu.enqueue_indirect_dma source(%dma_start3A_16 : memref<1000x128xf32, #tpu.memory_space<hbm>>) target(%arg16 : memref<128x128xf32, #tpu.memory_space<vmem>>) offsets(%dma_start3A_13 : memref<128xi32, #tpu.memory_space<vmem>>) semaphore(%arg20 : memref<!tpu.dma_semaphore, #tpu.memory_space<semaphore_mem>>)
    %dma_start3A_17 = arith.constant 384 : i32
    %dma_start3A_18 = tpu.memref_slice %arg12[%dma_start3A_17] : memref<512xi32, #tpu.memory_space<vmem>> -> memref<128xi32, #tpu.memory_space<vmem>>
    %dma_start3A_19 = arith.constant 0 : i32
    %dma_start3A_20 = arith.constant 0 : i32
    %dma_start3A_21 = tpu.memref_slice %arg2[%dma_start3A_19, %dma_start3A_20] : memref<1000x128xf32, #tpu.memory_space<hbm>> -> memref<1000x128xf32, #tpu.memory_space<hbm>>
    tpu.enqueue_indirect_dma source(%dma_start3A_21 : memref<1000x128xf32, #tpu.memory_space<hbm>>) target(%arg17 : memref<128x128xf32, #tpu.memory_space<vmem>>) offsets(%dma_start3A_18 : memref<128xi32, #tpu.memory_space<vmem>>) semaphore(%arg21 : memref<!tpu.dma_semaphore, #tpu.memory_space<semaphore_mem>>)
    %dma_wait3A = arith.constant 0 : i32
    %dma_wait3A_22 = arith.constant 0 : i32
    %dma_wait3A_23 = tpu.memref_slice %arg2[%dma_wait3A, %dma_wait3A_22] : memref<1000x128xf32, #tpu.memory_space<hbm>> -> memref<128x128xf32, #tpu.memory_space<hbm>>
    %dma_wait3A_24 = arith.constant 0 : i32
    %dma_wait3A_25 = arith.constant 0 : i32
    %dma_wait3A_26 = tpu.memref_slice %arg2[%dma_wait3A_24, %dma_wait3A_25] : memref<1000x128xf32, #tpu.memory_space<hbm>> -> memref<128x128xf32, #tpu.memory_space<hbm>>
    tpu.wait_dma2 semaphore(%arg18 : memref<!tpu.dma_semaphore, #tpu.memory_space<semaphore_mem>>) src(%dma_wait3A_26 : memref<128x128xf32, #tpu.memory_space<hbm>>) dst(%arg14 : memref<128x128xf32, #tpu.memory_space<vmem>>)
    %add3A_27 = arith.constant 0 : i32
    %add3A_28 = arith.addi %mul3A_2, %add3A_27 : i32
    %dma_start3A_29 = arith.constant 0 : i32
    %dma_start3A_30 = tpu.memref_slice %arg8[%add3A_28, %dma_start3A_29] : memref<16384x128xf32, #tpu.memory_space<hbm>> -> memref<128x128xf32, #tpu.memory_space<hbm>>
    %dma_start3A_31 = arith.constant 0 : i32
    %dma_start3A_32 = tpu.memref_slice %arg8[%add3A_28, %dma_start3A_31] : memref<16384x128xf32, #tpu.memory_space<hbm>> -> memref<128x128xf32, #tpu.memory_space<hbm>>
    tpu.enqueue_dma source(%arg14 : memref<128x128xf32, #tpu.memory_space<vmem>>) target(%dma_start3A_32 : memref<128x128xf32, #tpu.memory_space<hbm>>) target_semaphore(%arg22 : memref<!tpu.dma_semaphore, #tpu.memory_space<semaphore_mem>>)
    %dma_wait3A_33 = arith.constant 0 : i32
    %dma_wait3A_34 = tpu.memref_slice %arg8[%mul3A_2, %dma_wait3A_33] : memref<16384x128xf32, #tpu.memory_space<hbm>> -> memref<128x128xf32, #tpu.memory_space<hbm>>
    %dma_wait3A_35 = arith.constant 0 : i32
    %dma_wait3A_36 = tpu.memref_slice %arg8[%mul3A_2, %dma_wait3A_35] : memref<16384x128xf32, #tpu.memory_space<hbm>> -> memref<128x128xf32, #tpu.memory_space<hbm>>
    tpu.wait_dma2 semaphore(%arg22 : memref<!tpu.dma_semaphore, #tpu.memory_space<semaphore_mem>>) src(%arg14 : memref<128x128xf32, #tpu.memory_space<vmem>>) dst(%dma_wait3A_36 : memref<128x128xf32, #tpu.memory_space<hbm>>)
    %dma_start3A_37 = arith.constant 0 : i32
    %dma_start3A_38 = tpu.memref_slice %arg12[%dma_start3A_37] : memref<512xi32, #tpu.memory_space<vmem>> -> memref<128xi32, #tpu.memory_space<vmem>>
    %dma_start3A_39 = arith.constant 0 : i32
    %dma_start3A_40 = arith.constant 0 : i32
    %dma_start3A_41 = tpu.memref_slice %arg3[%dma_start3A_39, %dma_start3A_40] : memref<1000x128xf32, #tpu.memory_space<hbm>> -> memref<1000x128xf32, #tpu.memory_space<hbm>>
    tpu.enqueue_indirect_dma source(%dma_start3A_41 : memref<1000x128xf32, #tpu.memory_space<hbm>>) target(%arg14 : memref<128x128xf32, #tpu.memory_space<vmem>>) offsets(%dma_start3A_38 : memref<128xi32, #tpu.memory_space<vmem>>) semaphore(%arg18 : memref<!tpu.dma_semaphore, #tpu.memory_space<semaphore_mem>>)
    %dma_wait3A_42 = arith.constant 0 : i32
    %dma_wait3A_43 = arith.constant 0 : i32
    %dma_wait3A_44 = tpu.memref_slice %arg2[%dma_wait3A_42, %dma_wait3A_43] : memref<1000x128xf32, #tpu.memory_space<hbm>> -> memref<128x128xf32, #tpu.memory_space<hbm>>
    %dma_wait3A_45 = arith.constant 0 : i32
    %dma_wait3A_46 = arith.constant 0 : i32
    %dma_wait3A_47 = tpu.memref_slice %arg2[%dma_wait3A_45, %dma_wait3A_46] : memref<1000x128xf32, #tpu.memory_space<hbm>> -> memref<128x128xf32, #tpu.memory_space<hbm>>
    tpu.wait_dma2 semaphore(%arg19 : memref<!tpu.dma_semaphore, #tpu.memory_space<semaphore_mem>>) src(%dma_wait3A_47 : memref<128x128xf32, #tpu.memory_space<hbm>>) dst(%arg15 : memref<128x128xf32, #tpu.memory_space<vmem>>)
    %add3A_48 = arith.constant 128 : i32
    %add3A_49 = arith.addi %mul3A_2, %add3A_48 : i32
    %dma_start3A_50 = arith.constant 0 : i32
    %dma_start3A_51 = tpu.memref_slice %arg8[%add3A_49, %dma_start3A_50] : memref<16384x128xf32, #tpu.memory_space<hbm>> -> memref<128x128xf32, #tpu.memory_space<hbm>>
    %dma_start3A_52 = arith.constant 0 : i32
    %dma_start3A_53 = tpu.memref_slice %arg8[%add3A_49, %dma_start3A_52] : memref<16384x128xf32, #tpu.memory_space<hbm>> -> memref<128x128xf32, #tpu.memory_space<hbm>>
    tpu.enqueue_dma source(%arg15 : memref<128x128xf32, #tpu.memory_space<vmem>>) target(%dma_start3A_53 : memref<128x128xf32, #tpu.memory_space<hbm>>) target_semaphore(%arg23 : memref<!tpu.dma_semaphore, #tpu.memory_space<semaphore_mem>>)
    %dma_wait3A_54 = arith.constant 0 : i32
    %dma_wait3A_55 = tpu.memref_slice %arg8[%mul3A_2, %dma_wait3A_54] : memref<16384x128xf32, #tpu.memory_space<hbm>> -> memref<128x128xf32, #tpu.memory_space<hbm>>
    %dma_wait3A_56 = arith.constant 0 : i32
    %dma_wait3A_57 = tpu.memref_slice %arg8[%mul3A_2, %dma_wait3A_56] : memref<16384x128xf32, #tpu.memory_space<hbm>> -> memref<128x128xf32, #tpu.memory_space<hbm>>
    tpu.wait_dma2 semaphore(%arg23 : memref<!tpu.dma_semaphore, #tpu.memory_space<semaphore_mem>>) src(%arg15 : memref<128x128xf32, #tpu.memory_space<vmem>>) dst(%dma_wait3A_57 : memref<128x128xf32, #tpu.memory_space<hbm>>)
    %dma_start3A_58 = arith.constant 128 : i32
    %dma_start3A_59 = tpu.memref_slice %arg12[%dma_start3A_58] : memref<512xi32, #tpu.memory_space<vmem>> -> memref<128xi32, #tpu.memory_space<vmem>>
    %dma_start3A_60 = arith.constant 0 : i32
    %dma_start3A_61 = arith.constant 0 : i32
    %dma_start3A_62 = tpu.memref_slice %arg3[%dma_start3A_60, %dma_start3A_61] : memref<1000x128xf32, #tpu.memory_space<hbm>> -> memref<1000x128xf32, #tpu.memory_space<hbm>>
    tpu.enqueue_indirect_dma source(%dma_start3A_62 : memref<1000x128xf32, #tpu.memory_space<hbm>>) target(%arg15 : memref<128x128xf32, #tpu.memory_space<vmem>>) offsets(%dma_start3A_59 : memref<128xi32, #tpu.memory_space<vmem>>) semaphore(%arg19 : memref<!tpu.dma_semaphore, #tpu.memory_space<semaphore_mem>>)
    %dma_wait3A_63 = arith.constant 0 : i32
    %dma_wait3A_64 = arith.constant 0 : i32
    %dma_wait3A_65 = tpu.memref_slice %arg2[%dma_wait3A_63, %dma_wait3A_64] : memref<1000x128xf32, #tpu.memory_space<hbm>> -> memref<128x128xf32, #tpu.memory_space<hbm>>
    %dma_wait3A_66 = arith.constant 0 : i32
    %dma_wait3A_67 = arith.constant 0 : i32
    %dma_wait3A_68 = tpu.memref_slice %arg2[%dma_wait3A_66, %dma_wait3A_67] : memref<1000x128xf32, #tpu.memory_space<hbm>> -> memref<128x128xf32, #tpu.memory_space<hbm>>
    tpu.wait_dma2 semaphore(%arg20 : memref<!tpu.dma_semaphore, #tpu.memory_space<semaphore_mem>>) src(%dma_wait3A_68 : memref<128x128xf32, #tpu.memory_space<hbm>>) dst(%arg16 : memref<128x128xf32, #tpu.memory_space<vmem>>)
    %add3A_69 = arith.constant 256 : i32
    %add3A_70 = arith.addi %mul3A_2, %add3A_69 : i32
    %dma_start3A_71 = arith.constant 0 : i32
    %dma_start3A_72 = tpu.memref_slice %arg8[%add3A_70, %dma_start3A_71] : memref<16384x128xf32, #tpu.memory_space<hbm>> -> memref<128x128xf32, #tpu.memory_space<hbm>>
    %dma_start3A_73 = arith.constant 0 : i32
    %dma_start3A_74 = tpu.memref_slice %arg8[%add3A_70, %dma_start3A_73] : memref<16384x128xf32, #tpu.memory_space<hbm>> -> memref<128x128xf32, #tpu.memory_space<hbm>>
    tpu.enqueue_dma source(%arg16 : memref<128x128xf32, #tpu.memory_space<vmem>>) target(%dma_start3A_74 : memref<128x128xf32, #tpu.memory_space<hbm>>) target_semaphore(%arg24 : memref<!tpu.dma_semaphore, #tpu.memory_space<semaphore_mem>>)
    %dma_wait3A_75 = arith.constant 0 : i32
    %dma_wait3A_76 = tpu.memref_slice %arg8[%mul3A_2, %dma_wait3A_75] : memref<16384x128xf32, #tpu.memory_space<hbm>> -> memref<128x128xf32, #tpu.memory_space<hbm>>
    %dma_wait3A_77 = arith.constant 0 : i32
    %dma_wait3A_78 = tpu.memref_slice %arg8[%mul3A_2, %dma_wait3A_77] : memref<16384x128xf32, #tpu.memory_space<hbm>> -> memref<128x128xf32, #tpu.memory_space<hbm>>
    tpu.wait_dma2 semaphore(%arg24 : memref<!tpu.dma_semaphore, #tpu.memory_space<semaphore_mem>>) src(%arg16 : memref<128x128xf32, #tpu.memory_space<vmem>>) dst(%dma_wait3A_78 : memref<128x128xf32, #tpu.memory_space<hbm>>)
    %dma_start3A_79 = arith.constant 256 : i32
    %dma_start3A_80 = tpu.memref_slice %arg12[%dma_start3A_79] : memref<512xi32, #tpu.memory_space<vmem>> -> memref<128xi32, #tpu.memory_space<vmem>>
    %dma_start3A_81 = arith.constant 0 : i32
    %dma_start3A_82 = arith.constant 0 : i32
    %dma_start3A_83 = tpu.memref_slice %arg3[%dma_start3A_81, %dma_start3A_82] : memref<1000x128xf32, #tpu.memory_space<hbm>> -> memref<1000x128xf32, #tpu.memory_space<hbm>>
    tpu.enqueue_indirect_dma source(%dma_start3A_83 : memref<1000x128xf32, #tpu.memory_space<hbm>>) target(%arg16 : memref<128x128xf32, #tpu.memory_space<vmem>>) offsets(%dma_start3A_80 : memref<128xi32, #tpu.memory_space<vmem>>) semaphore(%arg20 : memref<!tpu.dma_semaphore, #tpu.memory_space<semaphore_mem>>)
    %dma_wait3A_84 = arith.constant 0 : i32
    %dma_wait3A_85 = arith.constant 0 : i32
    %dma_wait3A_86 = tpu.memref_slice %arg2[%dma_wait3A_84, %dma_wait3A_85] : memref<1000x128xf32, #tpu.memory_space<hbm>> -> memref<128x128xf32, #tpu.memory_space<hbm>>
    %dma_wait3A_87 = arith.constant 0 : i32
    %dma_wait3A_88 = arith.constant 0 : i32
    %dma_wait3A_89 = tpu.memref_slice %arg2[%dma_wait3A_87, %dma_wait3A_88] : memref<1000x128xf32, #tpu.memory_space<hbm>> -> memref<128x128xf32, #tpu.memory_space<hbm>>
    tpu.wait_dma2 semaphore(%arg21 : memref<!tpu.dma_semaphore, #tpu.memory_space<semaphore_mem>>) src(%dma_wait3A_89 : memref<128x128xf32, #tpu.memory_space<hbm>>) dst(%arg17 : memref<128x128xf32, #tpu.memory_space<vmem>>)
    %add3A_90 = arith.constant 384 : i32
    %add3A_91 = arith.addi %mul3A_2, %add3A_90 : i32
    %dma_start3A_92 = arith.constant 0 : i32
    %dma_start3A_93 = tpu.memref_slice %arg8[%add3A_91, %dma_start3A_92] : memref<16384x128xf32, #tpu.memory_space<hbm>> -> memref<128x128xf32, #tpu.memory_space<hbm>>
    %dma_start3A_94 = arith.constant 0 : i32
    %dma_start3A_95 = tpu.memref_slice %arg8[%add3A_91, %dma_start3A_94] : memref<16384x128xf32, #tpu.memory_space<hbm>> -> memref<128x128xf32, #tpu.memory_space<hbm>>
    tpu.enqueue_dma source(%arg17 : memref<128x128xf32, #tpu.memory_space<vmem>>) target(%dma_start3A_95 : memref<128x128xf32, #tpu.memory_space<hbm>>) target_semaphore(%arg25 : memref<!tpu.dma_semaphore, #tpu.memory_space<semaphore_mem>>)
    %dma_wait3A_96 = arith.constant 0 : i32
    %dma_wait3A_97 = tpu.memref_slice %arg8[%mul3A_2, %dma_wait3A_96] : memref<16384x128xf32, #tpu.memory_space<hbm>> -> memref<128x128xf32, #tpu.memory_space<hbm>>
    %dma_wait3A_98 = arith.constant 0 : i32
    %dma_wait3A_99 = tpu.memref_slice %arg8[%mul3A_2, %dma_wait3A_98] : memref<16384x128xf32, #tpu.memory_space<hbm>> -> memref<128x128xf32, #tpu.memory_space<hbm>>
    tpu.wait_dma2 semaphore(%arg25 : memref<!tpu.dma_semaphore, #tpu.memory_space<semaphore_mem>>) src(%arg17 : memref<128x128xf32, #tpu.memory_space<vmem>>) dst(%dma_wait3A_99 : memref<128x128xf32, #tpu.memory_space<hbm>>)
    %dma_start3A_100 = arith.constant 384 : i32
    %dma_start3A_101 = tpu.memref_slice %arg12[%dma_start3A_100] : memref<512xi32, #tpu.memory_space<vmem>> -> memref<128xi32, #tpu.memory_space<vmem>>
    %dma_start3A_102 = arith.constant 0 : i32
    %dma_start3A_103 = arith.constant 0 : i32
    %dma_start3A_104 = tpu.memref_slice %arg3[%dma_start3A_102, %dma_start3A_103] : memref<1000x128xf32, #tpu.memory_space<hbm>> -> memref<1000x128xf32, #tpu.memory_space<hbm>>
    tpu.enqueue_indirect_dma source(%dma_start3A_104 : memref<1000x128xf32, #tpu.memory_space<hbm>>) target(%arg17 : memref<128x128xf32, #tpu.memory_space<vmem>>) offsets(%dma_start3A_101 : memref<128xi32, #tpu.memory_space<vmem>>) semaphore(%arg21 : memref<!tpu.dma_semaphore, #tpu.memory_space<semaphore_mem>>)
    %dma_wait3A_105 = arith.constant 0 : i32
    %dma_wait3A_106 = arith.constant 0 : i32
    %dma_wait3A_107 = tpu.memref_slice %arg2[%dma_wait3A_105, %dma_wait3A_106] : memref<1000x128xf32, #tpu.memory_space<hbm>> -> memref<128x128xf32, #tpu.memory_space<hbm>>
    %dma_wait3A_108 = arith.constant 0 : i32
    %dma_wait3A_109 = arith.constant 0 : i32
    %dma_wait3A_110 = tpu.memref_slice %arg2[%dma_wait3A_108, %dma_wait3A_109] : memref<1000x128xf32, #tpu.memory_space<hbm>> -> memref<128x128xf32, #tpu.memory_space<hbm>>
    tpu.wait_dma2 semaphore(%arg18 : memref<!tpu.dma_semaphore, #tpu.memory_space<semaphore_mem>>) src(%dma_wait3A_110 : memref<128x128xf32, #tpu.memory_space<hbm>>) dst(%arg14 : memref<128x128xf32, #tpu.memory_space<vmem>>)
    %add3A_111 = arith.constant 0 : i32
    %add3A_112 = arith.addi %mul3A_2, %add3A_111 : i32
    %dma_start3A_113 = arith.constant 0 : i32
    %dma_start3A_114 = tpu.memref_slice %arg9[%add3A_112, %dma_start3A_113] : memref<16384x128xf32, #tpu.memory_space<hbm>> -> memref<128x128xf32, #tpu.memory_space<hbm>>
    %dma_start3A_115 = arith.constant 0 : i32
    %dma_start3A_116 = tpu.memref_slice %arg9[%add3A_112, %dma_start3A_115] : memref<16384x128xf32, #tpu.memory_space<hbm>> -> memref<128x128xf32, #tpu.memory_space<hbm>>
    tpu.enqueue_dma source(%arg14 : memref<128x128xf32, #tpu.memory_space<vmem>>) target(%dma_start3A_116 : memref<128x128xf32, #tpu.memory_space<hbm>>) target_semaphore(%arg22 : memref<!tpu.dma_semaphore, #tpu.memory_space<semaphore_mem>>)
    %dma_wait3A_117 = arith.constant 0 : i32
    %dma_wait3A_118 = tpu.memref_slice %arg9[%mul3A_2, %dma_wait3A_117] : memref<16384x128xf32, #tpu.memory_space<hbm>> -> memref<128x128xf32, #tpu.memory_space<hbm>>
    %dma_wait3A_119 = arith.constant 0 : i32
    %dma_wait3A_120 = tpu.memref_slice %arg9[%mul3A_2, %dma_wait3A_119] : memref<16384x128xf32, #tpu.memory_space<hbm>> -> memref<128x128xf32, #tpu.memory_space<hbm>>
    tpu.wait_dma2 semaphore(%arg22 : memref<!tpu.dma_semaphore, #tpu.memory_space<semaphore_mem>>) src(%arg14 : memref<128x128xf32, #tpu.memory_space<vmem>>) dst(%dma_wait3A_120 : memref<128x128xf32, #tpu.memory_space<hbm>>)
    %dma_start3A_121 = arith.constant 0 : i32
    %dma_start3A_122 = tpu.memref_slice %arg13[%dma_start3A_121] : memref<512xi32, #tpu.memory_space<vmem>> -> memref<128xi32, #tpu.memory_space<vmem>>
    %dma_start3A_123 = arith.constant 0 : i32
    %dma_start3A_124 = arith.constant 0 : i32
    %dma_start3A_125 = tpu.memref_slice %arg4[%dma_start3A_123, %dma_start3A_124] : memref<1000000x128xf32, #tpu.memory_space<hbm>> -> memref<1000000x128xf32, #tpu.memory_space<hbm>>
    tpu.enqueue_indirect_dma source(%dma_start3A_125 : memref<1000000x128xf32, #tpu.memory_space<hbm>>) target(%arg14 : memref<128x128xf32, #tpu.memory_space<vmem>>) offsets(%dma_start3A_122 : memref<128xi32, #tpu.memory_space<vmem>>) semaphore(%arg18 : memref<!tpu.dma_semaphore, #tpu.memory_space<semaphore_mem>>)
    %dma_wait3A_126 = arith.constant 0 : i32
    %dma_wait3A_127 = arith.constant 0 : i32
    %dma_wait3A_128 = tpu.memref_slice %arg2[%dma_wait3A_126, %dma_wait3A_127] : memref<1000x128xf32, #tpu.memory_space<hbm>> -> memref<128x128xf32, #tpu.memory_space<hbm>>
    %dma_wait3A_129 = arith.constant 0 : i32
    %dma_wait3A_130 = arith.constant 0 : i32
    %dma_wait3A_131 = tpu.memref_slice %arg2[%dma_wait3A_129, %dma_wait3A_130] : memref<1000x128xf32, #tpu.memory_space<hbm>> -> memref<128x128xf32, #tpu.memory_space<hbm>>
    tpu.wait_dma2 semaphore(%arg19 : memref<!tpu.dma_semaphore, #tpu.memory_space<semaphore_mem>>) src(%dma_wait3A_131 : memref<128x128xf32, #tpu.memory_space<hbm>>) dst(%arg15 : memref<128x128xf32, #tpu.memory_space<vmem>>)
    %add3A_132 = arith.constant 128 : i32
    %add3A_133 = arith.addi %mul3A_2, %add3A_132 : i32
    %dma_start3A_134 = arith.constant 0 : i32
    %dma_start3A_135 = tpu.memref_slice %arg9[%add3A_133, %dma_start3A_134] : memref<16384x128xf32, #tpu.memory_space<hbm>> -> memref<128x128xf32, #tpu.memory_space<hbm>>
    %dma_start3A_136 = arith.constant 0 : i32
    %dma_start3A_137 = tpu.memref_slice %arg9[%add3A_133, %dma_start3A_136] : memref<16384x128xf32, #tpu.memory_space<hbm>> -> memref<128x128xf32, #tpu.memory_space<hbm>>
    tpu.enqueue_dma source(%arg15 : memref<128x128xf32, #tpu.memory_space<vmem>>) target(%dma_start3A_137 : memref<128x128xf32, #tpu.memory_space<hbm>>) target_semaphore(%arg23 : memref<!tpu.dma_semaphore, #tpu.memory_space<semaphore_mem>>)
    %dma_wait3A_138 = arith.constant 0 : i32
    %dma_wait3A_139 = tpu.memref_slice %arg9[%mul3A_2, %dma_wait3A_138] : memref<16384x128xf32, #tpu.memory_space<hbm>> -> memref<128x128xf32, #tpu.memory_space<hbm>>
    %dma_wait3A_140 = arith.constant 0 : i32
    %dma_wait3A_141 = tpu.memref_slice %arg9[%mul3A_2, %dma_wait3A_140] : memref<16384x128xf32, #tpu.memory_space<hbm>> -> memref<128x128xf32, #tpu.memory_space<hbm>>
    tpu.wait_dma2 semaphore(%arg23 : memref<!tpu.dma_semaphore, #tpu.memory_space<semaphore_mem>>) src(%arg15 : memref<128x128xf32, #tpu.memory_space<vmem>>) dst(%dma_wait3A_141 : memref<128x128xf32, #tpu.memory_space<hbm>>)
    %dma_start3A_142 = arith.constant 128 : i32
    %dma_start3A_143 = tpu.memref_slice %arg13[%dma_start3A_142] : memref<512xi32, #tpu.memory_space<vmem>> -> memref<128xi32, #tpu.memory_space<vmem>>
    %dma_start3A_144 = arith.constant 0 : i32
    %dma_start3A_145 = arith.constant 0 : i32
    %dma_start3A_146 = tpu.memref_slice %arg4[%dma_start3A_144, %dma_start3A_145] : memref<1000000x128xf32, #tpu.memory_space<hbm>> -> memref<1000000x128xf32, #tpu.memory_space<hbm>>
    tpu.enqueue_indirect_dma source(%dma_start3A_146 : memref<1000000x128xf32, #tpu.memory_space<hbm>>) target(%arg15 : memref<128x128xf32, #tpu.memory_space<vmem>>) offsets(%dma_start3A_143 : memref<128xi32, #tpu.memory_space<vmem>>) semaphore(%arg19 : memref<!tpu.dma_semaphore, #tpu.memory_space<semaphore_mem>>)
    %dma_wait3A_147 = arith.constant 0 : i32
    %dma_wait3A_148 = arith.constant 0 : i32
    %dma_wait3A_149 = tpu.memref_slice %arg2[%dma_wait3A_147, %dma_wait3A_148] : memref<1000x128xf32, #tpu.memory_space<hbm>> -> memref<128x128xf32, #tpu.memory_space<hbm>>
    %dma_wait3A_150 = arith.constant 0 : i32
    %dma_wait3A_151 = arith.constant 0 : i32
    %dma_wait3A_152 = tpu.memref_slice %arg2[%dma_wait3A_150, %dma_wait3A_151] : memref<1000x128xf32, #tpu.memory_space<hbm>> -> memref<128x128xf32, #tpu.memory_space<hbm>>
    tpu.wait_dma2 semaphore(%arg20 : memref<!tpu.dma_semaphore, #tpu.memory_space<semaphore_mem>>) src(%dma_wait3A_152 : memref<128x128xf32, #tpu.memory_space<hbm>>) dst(%arg16 : memref<128x128xf32, #tpu.memory_space<vmem>>)
    %add3A_153 = arith.constant 256 : i32
    %add3A_154 = arith.addi %mul3A_2, %add3A_153 : i32
    %dma_start3A_155 = arith.constant 0 : i32
    %dma_start3A_156 = tpu.memref_slice %arg9[%add3A_154, %dma_start3A_155] : memref<16384x128xf32, #tpu.memory_space<hbm>> -> memref<128x128xf32, #tpu.memory_space<hbm>>
    %dma_start3A_157 = arith.constant 0 : i32
    %dma_start3A_158 = tpu.memref_slice %arg9[%add3A_154, %dma_start3A_157] : memref<16384x128xf32, #tpu.memory_space<hbm>> -> memref<128x128xf32, #tpu.memory_space<hbm>>
    tpu.enqueue_dma source(%arg16 : memref<128x128xf32, #tpu.memory_space<vmem>>) target(%dma_start3A_158 : memref<128x128xf32, #tpu.memory_space<hbm>>) target_semaphore(%arg24 : memref<!tpu.dma_semaphore, #tpu.memory_space<semaphore_mem>>)
    %dma_wait3A_159 = arith.constant 0 : i32
    %dma_wait3A_160 = tpu.memref_slice %arg9[%mul3A_2, %dma_wait3A_159] : memref<16384x128xf32, #tpu.memory_space<hbm>> -> memref<128x128xf32, #tpu.memory_space<hbm>>
    %dma_wait3A_161 = arith.constant 0 : i32
    %dma_wait3A_162 = tpu.memref_slice %arg9[%mul3A_2, %dma_wait3A_161] : memref<16384x128xf32, #tpu.memory_space<hbm>> -> memref<128x128xf32, #tpu.memory_space<hbm>>
    tpu.wait_dma2 semaphore(%arg24 : memref<!tpu.dma_semaphore, #tpu.memory_space<semaphore_mem>>) src(%arg16 : memref<128x128xf32, #tpu.memory_space<vmem>>) dst(%dma_wait3A_162 : memref<128x128xf32, #tpu.memory_space<hbm>>)
    %dma_start3A_163 = arith.constant 256 : i32
    %dma_start3A_164 = tpu.memref_slice %arg13[%dma_start3A_163] : memref<512xi32, #tpu.memory_space<vmem>> -> memref<128xi32, #tpu.memory_space<vmem>>
    %dma_start3A_165 = arith.constant 0 : i32
    %dma_start3A_166 = arith.constant 0 : i32
    %dma_start3A_167 = tpu.memref_slice %arg4[%dma_start3A_165, %dma_start3A_166] : memref<1000000x128xf32, #tpu.memory_space<hbm>> -> memref<1000000x128xf32, #tpu.memory_space<hbm>>
    tpu.enqueue_indirect_dma source(%dma_start3A_167 : memref<1000000x128xf32, #tpu.memory_space<hbm>>) target(%arg16 : memref<128x128xf32, #tpu.memory_space<vmem>>) offsets(%dma_start3A_164 : memref<128xi32, #tpu.memory_space<vmem>>) semaphore(%arg20 : memref<!tpu.dma_semaphore, #tpu.memory_space<semaphore_mem>>)
    %dma_wait3A_168 = arith.constant 0 : i32
    %dma_wait3A_169 = arith.constant 0 : i32
    %dma_wait3A_170 = tpu.memref_slice %arg2[%dma_wait3A_168, %dma_wait3A_169] : memref<1000x128xf32, #tpu.memory_space<hbm>> -> memref<128x128xf32, #tpu.memory_space<hbm>>
    %dma_wait3A_171 = arith.constant 0 : i32
    %dma_wait3A_172 = arith.constant 0 : i32
    %dma_wait3A_173 = tpu.memref_slice %arg2[%dma_wait3A_171, %dma_wait3A_172] : memref<1000x128xf32, #tpu.memory_space<hbm>> -> memref<128x128xf32, #tpu.memory_space<hbm>>
    tpu.wait_dma2 semaphore(%arg21 : memref<!tpu.dma_semaphore, #tpu.memory_space<semaphore_mem>>) src(%dma_wait3A_173 : memref<128x128xf32, #tpu.memory_space<hbm>>) dst(%arg17 : memref<128x128xf32, #tpu.memory_space<vmem>>)
    %add3A_174 = arith.constant 384 : i32
    %add3A_175 = arith.addi %mul3A_2, %add3A_174 : i32
    %dma_start3A_176 = arith.constant 0 : i32
    %dma_start3A_177 = tpu.memref_slice %arg9[%add3A_175, %dma_start3A_176] : memref<16384x128xf32, #tpu.memory_space<hbm>> -> memref<128x128xf32, #tpu.memory_space<hbm>>
    %dma_start3A_178 = arith.constant 0 : i32
    %dma_start3A_179 = tpu.memref_slice %arg9[%add3A_175, %dma_start3A_178] : memref<16384x128xf32, #tpu.memory_space<hbm>> -> memref<128x128xf32, #tpu.memory_space<hbm>>
    tpu.enqueue_dma source(%arg17 : memref<128x128xf32, #tpu.memory_space<vmem>>) target(%dma_start3A_179 : memref<128x128xf32, #tpu.memory_space<hbm>>) target_semaphore(%arg25 : memref<!tpu.dma_semaphore, #tpu.memory_space<semaphore_mem>>)
    %dma_wait3A_180 = arith.constant 0 : i32
    %dma_wait3A_181 = tpu.memref_slice %arg9[%mul3A_2, %dma_wait3A_180] : memref<16384x128xf32, #tpu.memory_space<hbm>> -> memref<128x128xf32, #tpu.memory_space<hbm>>
    %dma_wait3A_182 = arith.constant 0 : i32
    %dma_wait3A_183 = tpu.memref_slice %arg9[%mul3A_2, %dma_wait3A_182] : memref<16384x128xf32, #tpu.memory_space<hbm>> -> memref<128x128xf32, #tpu.memory_space<hbm>>
    tpu.wait_dma2 semaphore(%arg25 : memref<!tpu.dma_semaphore, #tpu.memory_space<semaphore_mem>>) src(%arg17 : memref<128x128xf32, #tpu.memory_space<vmem>>) dst(%dma_wait3A_183 : memref<128x128xf32, #tpu.memory_space<hbm>>)
    %dma_start3A_184 = arith.constant 384 : i32
    %dma_start3A_185 = tpu.memref_slice %arg13[%dma_start3A_184] : memref<512xi32, #tpu.memory_space<vmem>> -> memref<128xi32, #tpu.memory_space<vmem>>
    %dma_start3A_186 = arith.constant 0 : i32
    %dma_start3A_187 = arith.constant 0 : i32
    %dma_start3A_188 = tpu.memref_slice %arg4[%dma_start3A_186, %dma_start3A_187] : memref<1000000x128xf32, #tpu.memory_space<hbm>> -> memref<1000000x128xf32, #tpu.memory_space<hbm>>
    tpu.enqueue_indirect_dma source(%dma_start3A_188 : memref<1000000x128xf32, #tpu.memory_space<hbm>>) target(%arg17 : memref<128x128xf32, #tpu.memory_space<vmem>>) offsets(%dma_start3A_185 : memref<128xi32, #tpu.memory_space<vmem>>) semaphore(%arg21 : memref<!tpu.dma_semaphore, #tpu.memory_space<semaphore_mem>>)
    %dma_wait3A_189 = arith.constant 0 : i32
    %dma_wait3A_190 = arith.constant 0 : i32
    %dma_wait3A_191 = tpu.memref_slice %arg2[%dma_wait3A_189, %dma_wait3A_190] : memref<1000x128xf32, #tpu.memory_space<hbm>> -> memref<128x128xf32, #tpu.memory_space<hbm>>
    %dma_wait3A_192 = arith.constant 0 : i32
    %dma_wait3A_193 = arith.constant 0 : i32
    %dma_wait3A_194 = tpu.memref_slice %arg2[%dma_wait3A_192, %dma_wait3A_193] : memref<1000x128xf32, #tpu.memory_space<hbm>> -> memref<128x128xf32, #tpu.memory_space<hbm>>
    tpu.wait_dma2 semaphore(%arg18 : memref<!tpu.dma_semaphore, #tpu.memory_space<semaphore_mem>>) src(%dma_wait3A_194 : memref<128x128xf32, #tpu.memory_space<hbm>>) dst(%arg14 : memref<128x128xf32, #tpu.memory_space<vmem>>)
    %add3A_195 = arith.constant 0 : i32
    %add3A_196 = arith.addi %mul3A_2, %add3A_195 : i32
    %dma_start3A_197 = arith.constant 0 : i32
    %dma_start3A_198 = tpu.memref_slice %arg10[%add3A_196, %dma_start3A_197] : memref<16384x128xf32, #tpu.memory_space<hbm>> -> memref<128x128xf32, #tpu.memory_space<hbm>>
    %dma_start3A_199 = arith.constant 0 : i32
    %dma_start3A_200 = tpu.memref_slice %arg10[%add3A_196, %dma_start3A_199] : memref<16384x128xf32, #tpu.memory_space<hbm>> -> memref<128x128xf32, #tpu.memory_space<hbm>>
    tpu.enqueue_dma source(%arg14 : memref<128x128xf32, #tpu.memory_space<vmem>>) target(%dma_start3A_200 : memref<128x128xf32, #tpu.memory_space<hbm>>) target_semaphore(%arg22 : memref<!tpu.dma_semaphore, #tpu.memory_space<semaphore_mem>>)
    %dma_wait3A_201 = arith.constant 0 : i32
    %dma_wait3A_202 = tpu.memref_slice %arg10[%mul3A_2, %dma_wait3A_201] : memref<16384x128xf32, #tpu.memory_space<hbm>> -> memref<128x128xf32, #tpu.memory_space<hbm>>
    %dma_wait3A_203 = arith.constant 0 : i32
    %dma_wait3A_204 = tpu.memref_slice %arg10[%mul3A_2, %dma_wait3A_203] : memref<16384x128xf32, #tpu.memory_space<hbm>> -> memref<128x128xf32, #tpu.memory_space<hbm>>
    tpu.wait_dma2 semaphore(%arg22 : memref<!tpu.dma_semaphore, #tpu.memory_space<semaphore_mem>>) src(%arg14 : memref<128x128xf32, #tpu.memory_space<vmem>>) dst(%dma_wait3A_204 : memref<128x128xf32, #tpu.memory_space<hbm>>)
    %dma_start3A_205 = arith.constant 0 : i32
    %dma_start3A_206 = tpu.memref_slice %arg13[%dma_start3A_205] : memref<512xi32, #tpu.memory_space<vmem>> -> memref<128xi32, #tpu.memory_space<vmem>>
    %dma_start3A_207 = arith.constant 0 : i32
    %dma_start3A_208 = arith.constant 0 : i32
    %dma_start3A_209 = tpu.memref_slice %arg5[%dma_start3A_207, %dma_start3A_208] : memref<1000000x128xf32, #tpu.memory_space<hbm>> -> memref<1000000x128xf32, #tpu.memory_space<hbm>>
    tpu.enqueue_indirect_dma source(%dma_start3A_209 : memref<1000000x128xf32, #tpu.memory_space<hbm>>) target(%arg14 : memref<128x128xf32, #tpu.memory_space<vmem>>) offsets(%dma_start3A_206 : memref<128xi32, #tpu.memory_space<vmem>>) semaphore(%arg18 : memref<!tpu.dma_semaphore, #tpu.memory_space<semaphore_mem>>)
    %dma_wait3A_210 = arith.constant 0 : i32
    %dma_wait3A_211 = arith.constant 0 : i32
    %dma_wait3A_212 = tpu.memref_slice %arg2[%dma_wait3A_210, %dma_wait3A_211] : memref<1000x128xf32, #tpu.memory_space<hbm>> -> memref<128x128xf32, #tpu.memory_space<hbm>>
    %dma_wait3A_213 = arith.constant 0 : i32
    %dma_wait3A_214 = arith.constant 0 : i32
    %dma_wait3A_215 = tpu.memref_slice %arg2[%dma_wait3A_213, %dma_wait3A_214] : memref<1000x128xf32, #tpu.memory_space<hbm>> -> memref<128x128xf32, #tpu.memory_space<hbm>>
    tpu.wait_dma2 semaphore(%arg19 : memref<!tpu.dma_semaphore, #tpu.memory_space<semaphore_mem>>) src(%dma_wait3A_215 : memref<128x128xf32, #tpu.memory_space<hbm>>) dst(%arg15 : memref<128x128xf32, #tpu.memory_space<vmem>>)
    %add3A_216 = arith.constant 128 : i32
    %add3A_217 = arith.addi %mul3A_2, %add3A_216 : i32
    %dma_start3A_218 = arith.constant 0 : i32
    %dma_start3A_219 = tpu.memref_slice %arg10[%add3A_217, %dma_start3A_218] : memref<16384x128xf32, #tpu.memory_space<hbm>> -> memref<128x128xf32, #tpu.memory_space<hbm>>
    %dma_start3A_220 = arith.constant 0 : i32
    %dma_start3A_221 = tpu.memref_slice %arg10[%add3A_217, %dma_start3A_220] : memref<16384x128xf32, #tpu.memory_space<hbm>> -> memref<128x128xf32, #tpu.memory_space<hbm>>
    tpu.enqueue_dma source(%arg15 : memref<128x128xf32, #tpu.memory_space<vmem>>) target(%dma_start3A_221 : memref<128x128xf32, #tpu.memory_space<hbm>>) target_semaphore(%arg23 : memref<!tpu.dma_semaphore, #tpu.memory_space<semaphore_mem>>)
    %dma_wait3A_222 = arith.constant 0 : i32
    %dma_wait3A_223 = tpu.memref_slice %arg10[%mul3A_2, %dma_wait3A_222] : memref<16384x128xf32, #tpu.memory_space<hbm>> -> memref<128x128xf32, #tpu.memory_space<hbm>>
    %dma_wait3A_224 = arith.constant 0 : i32
    %dma_wait3A_225 = tpu.memref_slice %arg10[%mul3A_2, %dma_wait3A_224] : memref<16384x128xf32, #tpu.memory_space<hbm>> -> memref<128x128xf32, #tpu.memory_space<hbm>>
    tpu.wait_dma2 semaphore(%arg23 : memref<!tpu.dma_semaphore, #tpu.memory_space<semaphore_mem>>) src(%arg15 : memref<128x128xf32, #tpu.memory_space<vmem>>) dst(%dma_wait3A_225 : memref<128x128xf32, #tpu.memory_space<hbm>>)
    %dma_start3A_226 = arith.constant 128 : i32
    %dma_start3A_227 = tpu.memref_slice %arg13[%dma_start3A_226] : memref<512xi32, #tpu.memory_space<vmem>> -> memref<128xi32, #tpu.memory_space<vmem>>
    %dma_start3A_228 = arith.constant 0 : i32
    %dma_start3A_229 = arith.constant 0 : i32
    %dma_start3A_230 = tpu.memref_slice %arg5[%dma_start3A_228, %dma_start3A_229] : memref<1000000x128xf32, #tpu.memory_space<hbm>> -> memref<1000000x128xf32, #tpu.memory_space<hbm>>
    tpu.enqueue_indirect_dma source(%dma_start3A_230 : memref<1000000x128xf32, #tpu.memory_space<hbm>>) target(%arg15 : memref<128x128xf32, #tpu.memory_space<vmem>>) offsets(%dma_start3A_227 : memref<128xi32, #tpu.memory_space<vmem>>) semaphore(%arg19 : memref<!tpu.dma_semaphore, #tpu.memory_space<semaphore_mem>>)
    %dma_wait3A_231 = arith.constant 0 : i32
    %dma_wait3A_232 = arith.constant 0 : i32
    %dma_wait3A_233 = tpu.memref_slice %arg2[%dma_wait3A_231, %dma_wait3A_232] : memref<1000x128xf32, #tpu.memory_space<hbm>> -> memref<128x128xf32, #tpu.memory_space<hbm>>
    %dma_wait3A_234 = arith.constant 0 : i32
    %dma_wait3A_235 = arith.constant 0 : i32
    %dma_wait3A_236 = tpu.memref_slice %arg2[%dma_wait3A_234, %dma_wait3A_235] : memref<1000x128xf32, #tpu.memory_space<hbm>> -> memref<128x128xf32, #tpu.memory_space<hbm>>
    tpu.wait_dma2 semaphore(%arg20 : memref<!tpu.dma_semaphore, #tpu.memory_space<semaphore_mem>>) src(%dma_wait3A_236 : memref<128x128xf32, #tpu.memory_space<hbm>>) dst(%arg16 : memref<128x128xf32, #tpu.memory_space<vmem>>)
    %add3A_237 = arith.constant 256 : i32
    %add3A_238 = arith.addi %mul3A_2, %add3A_237 : i32
    %dma_start3A_239 = arith.constant 0 : i32
    %dma_start3A_240 = tpu.memref_slice %arg10[%add3A_238, %dma_start3A_239] : memref<16384x128xf32, #tpu.memory_space<hbm>> -> memref<128x128xf32, #tpu.memory_space<hbm>>
    %dma_start3A_241 = arith.constant 0 : i32
    %dma_start3A_242 = tpu.memref_slice %arg10[%add3A_238, %dma_start3A_241] : memref<16384x128xf32, #tpu.memory_space<hbm>> -> memref<128x128xf32, #tpu.memory_space<hbm>>
    tpu.enqueue_dma source(%arg16 : memref<128x128xf32, #tpu.memory_space<vmem>>) target(%dma_start3A_242 : memref<128x128xf32, #tpu.memory_space<hbm>>) target_semaphore(%arg24 : memref<!tpu.dma_semaphore, #tpu.memory_space<semaphore_mem>>)
    %dma_wait3A_243 = arith.constant 0 : i32
    %dma_wait3A_244 = tpu.memref_slice %arg10[%mul3A_2, %dma_wait3A_243] : memref<16384x128xf32, #tpu.memory_space<hbm>> -> memref<128x128xf32, #tpu.memory_space<hbm>>
    %dma_wait3A_245 = arith.constant 0 : i32
    %dma_wait3A_246 = tpu.memref_slice %arg10[%mul3A_2, %dma_wait3A_245] : memref<16384x128xf32, #tpu.memory_space<hbm>> -> memref<128x128xf32, #tpu.memory_space<hbm>>
    tpu.wait_dma2 semaphore(%arg24 : memref<!tpu.dma_semaphore, #tpu.memory_space<semaphore_mem>>) src(%arg16 : memref<128x128xf32, #tpu.memory_space<vmem>>) dst(%dma_wait3A_246 : memref<128x128xf32, #tpu.memory_space<hbm>>)
    %dma_start3A_247 = arith.constant 256 : i32
    %dma_start3A_248 = tpu.memref_slice %arg13[%dma_start3A_247] : memref<512xi32, #tpu.memory_space<vmem>> -> memref<128xi32, #tpu.memory_space<vmem>>
    %dma_start3A_249 = arith.constant 0 : i32
    %dma_start3A_250 = arith.constant 0 : i32
    %dma_start3A_251 = tpu.memref_slice %arg5[%dma_start3A_249, %dma_start3A_250] : memref<1000000x128xf32, #tpu.memory_space<hbm>> -> memref<1000000x128xf32, #tpu.memory_space<hbm>>
    tpu.enqueue_indirect_dma source(%dma_start3A_251 : memref<1000000x128xf32, #tpu.memory_space<hbm>>) target(%arg16 : memref<128x128xf32, #tpu.memory_space<vmem>>) offsets(%dma_start3A_248 : memref<128xi32, #tpu.memory_space<vmem>>) semaphore(%arg20 : memref<!tpu.dma_semaphore, #tpu.memory_space<semaphore_mem>>)
    %dma_wait3A_252 = arith.constant 0 : i32
    %dma_wait3A_253 = arith.constant 0 : i32
    %dma_wait3A_254 = tpu.memref_slice %arg2[%dma_wait3A_252, %dma_wait3A_253] : memref<1000x128xf32, #tpu.memory_space<hbm>> -> memref<128x128xf32, #tpu.memory_space<hbm>>
    %dma_wait3A_255 = arith.constant 0 : i32
    %dma_wait3A_256 = arith.constant 0 : i32
    %dma_wait3A_257 = tpu.memref_slice %arg2[%dma_wait3A_255, %dma_wait3A_256] : memref<1000x128xf32, #tpu.memory_space<hbm>> -> memref<128x128xf32, #tpu.memory_space<hbm>>
    tpu.wait_dma2 semaphore(%arg21 : memref<!tpu.dma_semaphore, #tpu.memory_space<semaphore_mem>>) src(%dma_wait3A_257 : memref<128x128xf32, #tpu.memory_space<hbm>>) dst(%arg17 : memref<128x128xf32, #tpu.memory_space<vmem>>)
    %add3A_258 = arith.constant 384 : i32
    %add3A_259 = arith.addi %mul3A_2, %add3A_258 : i32
    %dma_start3A_260 = arith.constant 0 : i32
    %dma_start3A_261 = tpu.memref_slice %arg10[%add3A_259, %dma_start3A_260] : memref<16384x128xf32, #tpu.memory_space<hbm>> -> memref<128x128xf32, #tpu.memory_space<hbm>>
    %dma_start3A_262 = arith.constant 0 : i32
    %dma_start3A_263 = tpu.memref_slice %arg10[%add3A_259, %dma_start3A_262] : memref<16384x128xf32, #tpu.memory_space<hbm>> -> memref<128x128xf32, #tpu.memory_space<hbm>>
    tpu.enqueue_dma source(%arg17 : memref<128x128xf32, #tpu.memory_space<vmem>>) target(%dma_start3A_263 : memref<128x128xf32, #tpu.memory_space<hbm>>) target_semaphore(%arg25 : memref<!tpu.dma_semaphore, #tpu.memory_space<semaphore_mem>>)
    %dma_wait3A_264 = arith.constant 0 : i32
    %dma_wait3A_265 = tpu.memref_slice %arg10[%mul3A_2, %dma_wait3A_264] : memref<16384x128xf32, #tpu.memory_space<hbm>> -> memref<128x128xf32, #tpu.memory_space<hbm>>
    %dma_wait3A_266 = arith.constant 0 : i32
    %dma_wait3A_267 = tpu.memref_slice %arg10[%mul3A_2, %dma_wait3A_266] : memref<16384x128xf32, #tpu.memory_space<hbm>> -> memref<128x128xf32, #tpu.memory_space<hbm>>
    tpu.wait_dma2 semaphore(%arg25 : memref<!tpu.dma_semaphore, #tpu.memory_space<semaphore_mem>>) src(%arg17 : memref<128x128xf32, #tpu.memory_space<vmem>>) dst(%dma_wait3A_267 : memref<128x128xf32, #tpu.memory_space<hbm>>)
    %dma_start3A_268 = arith.constant 384 : i32
    %dma_start3A_269 = tpu.memref_slice %arg13[%dma_start3A_268] : memref<512xi32, #tpu.memory_space<vmem>> -> memref<128xi32, #tpu.memory_space<vmem>>
    %dma_start3A_270 = arith.constant 0 : i32
    %dma_start3A_271 = arith.constant 0 : i32
    %dma_start3A_272 = tpu.memref_slice %arg5[%dma_start3A_270, %dma_start3A_271] : memref<1000000x128xf32, #tpu.memory_space<hbm>> -> memref<1000000x128xf32, #tpu.memory_space<hbm>>
    tpu.enqueue_indirect_dma source(%dma_start3A_272 : memref<1000000x128xf32, #tpu.memory_space<hbm>>) target(%arg17 : memref<128x128xf32, #tpu.memory_space<vmem>>) offsets(%dma_start3A_269 : memref<128xi32, #tpu.memory_space<vmem>>) semaphore(%arg21 : memref<!tpu.dma_semaphore, #tpu.memory_space<semaphore_mem>>)
    %dma_wait3A_273 = arith.constant 0 : i32
    %dma_wait3A_274 = arith.constant 0 : i32
    %dma_wait3A_275 = tpu.memref_slice %arg2[%dma_wait3A_273, %dma_wait3A_274] : memref<1000x128xf32, #tpu.memory_space<hbm>> -> memref<128x128xf32, #tpu.memory_space<hbm>>
    %dma_wait3A_276 = arith.constant 0 : i32
    %dma_wait3A_277 = arith.constant 0 : i32
    %dma_wait3A_278 = tpu.memref_slice %arg2[%dma_wait3A_276, %dma_wait3A_277] : memref<1000x128xf32, #tpu.memory_space<hbm>> -> memref<128x128xf32, #tpu.memory_space<hbm>>
    tpu.wait_dma2 semaphore(%arg18 : memref<!tpu.dma_semaphore, #tpu.memory_space<semaphore_mem>>) src(%dma_wait3A_278 : memref<128x128xf32, #tpu.memory_space<hbm>>) dst(%arg14 : memref<128x128xf32, #tpu.memory_space<vmem>>)
    %add3A_279 = arith.constant 0 : i32
    %add3A_280 = arith.addi %mul3A_2, %add3A_279 : i32
    %dma_start3A_281 = arith.constant 0 : i32
    %dma_start3A_282 = tpu.memref_slice %arg11[%add3A_280, %dma_start3A_281] : memref<16384x128xf32, #tpu.memory_space<hbm>> -> memref<128x128xf32, #tpu.memory_space<hbm>>
    %dma_start3A_283 = arith.constant 0 : i32
    %dma_start3A_284 = tpu.memref_slice %arg11[%add3A_280, %dma_start3A_283] : memref<16384x128xf32, #tpu.memory_space<hbm>> -> memref<128x128xf32, #tpu.memory_space<hbm>>
    tpu.enqueue_dma source(%arg14 : memref<128x128xf32, #tpu.memory_space<vmem>>) target(%dma_start3A_284 : memref<128x128xf32, #tpu.memory_space<hbm>>) target_semaphore(%arg22 : memref<!tpu.dma_semaphore, #tpu.memory_space<semaphore_mem>>)
    %dma_wait3A_285 = arith.constant 0 : i32
    %dma_wait3A_286 = arith.constant 0 : i32
    %dma_wait3A_287 = tpu.memref_slice %arg2[%dma_wait3A_285, %dma_wait3A_286] : memref<1000x128xf32, #tpu.memory_space<hbm>> -> memref<128x128xf32, #tpu.memory_space<hbm>>
    %dma_wait3A_288 = arith.constant 0 : i32
    %dma_wait3A_289 = arith.constant 0 : i32
    %dma_wait3A_290 = tpu.memref_slice %arg2[%dma_wait3A_288, %dma_wait3A_289] : memref<1000x128xf32, #tpu.memory_space<hbm>> -> memref<128x128xf32, #tpu.memory_space<hbm>>
    tpu.wait_dma2 semaphore(%arg19 : memref<!tpu.dma_semaphore, #tpu.memory_space<semaphore_mem>>) src(%dma_wait3A_290 : memref<128x128xf32, #tpu.memory_space<hbm>>) dst(%arg15 : memref<128x128xf32, #tpu.memory_space<vmem>>)
    %add3A_291 = arith.constant 128 : i32
    %add3A_292 = arith.addi %mul3A_2, %add3A_291 : i32
    %dma_start3A_293 = arith.constant 0 : i32
    %dma_start3A_294 = tpu.memref_slice %arg11[%add3A_292, %dma_start3A_293] : memref<16384x128xf32, #tpu.memory_space<hbm>> -> memref<128x128xf32, #tpu.memory_space<hbm>>
    %dma_start3A_295 = arith.constant 0 : i32
    %dma_start3A_296 = tpu.memref_slice %arg11[%add3A_292, %dma_start3A_295] : memref<16384x128xf32, #tpu.memory_space<hbm>> -> memref<128x128xf32, #tpu.memory_space<hbm>>
    tpu.enqueue_dma source(%arg15 : memref<128x128xf32, #tpu.memory_space<vmem>>) target(%dma_start3A_296 : memref<128x128xf32, #tpu.memory_space<hbm>>) target_semaphore(%arg23 : memref<!tpu.dma_semaphore, #tpu.memory_space<semaphore_mem>>)
    %dma_wait3A_297 = arith.constant 0 : i32
    %dma_wait3A_298 = arith.constant 0 : i32
    %dma_wait3A_299 = tpu.memref_slice %arg2[%dma_wait3A_297, %dma_wait3A_298] : memref<1000x128xf32, #tpu.memory_space<hbm>> -> memref<128x128xf32, #tpu.memory_space<hbm>>
    %dma_wait3A_300 = arith.constant 0 : i32
    %dma_wait3A_301 = arith.constant 0 : i32
    %dma_wait3A_302 = tpu.memref_slice %arg2[%dma_wait3A_300, %dma_wait3A_301] : memref<1000x128xf32, #tpu.memory_space<hbm>> -> memref<128x128xf32, #tpu.memory_space<hbm>>
    tpu.wait_dma2 semaphore(%arg20 : memref<!tpu.dma_semaphore, #tpu.memory_space<semaphore_mem>>) src(%dma_wait3A_302 : memref<128x128xf32, #tpu.memory_space<hbm>>) dst(%arg16 : memref<128x128xf32, #tpu.memory_space<vmem>>)
    %add3A_303 = arith.constant 256 : i32
    %add3A_304 = arith.addi %mul3A_2, %add3A_303 : i32
    %dma_start3A_305 = arith.constant 0 : i32
    %dma_start3A_306 = tpu.memref_slice %arg11[%add3A_304, %dma_start3A_305] : memref<16384x128xf32, #tpu.memory_space<hbm>> -> memref<128x128xf32, #tpu.memory_space<hbm>>
    %dma_start3A_307 = arith.constant 0 : i32
    %dma_start3A_308 = tpu.memref_slice %arg11[%add3A_304, %dma_start3A_307] : memref<16384x128xf32, #tpu.memory_space<hbm>> -> memref<128x128xf32, #tpu.memory_space<hbm>>
    tpu.enqueue_dma source(%arg16 : memref<128x128xf32, #tpu.memory_space<vmem>>) target(%dma_start3A_308 : memref<128x128xf32, #tpu.memory_space<hbm>>) target_semaphore(%arg24 : memref<!tpu.dma_semaphore, #tpu.memory_space<semaphore_mem>>)
    %dma_wait3A_309 = arith.constant 0 : i32
    %dma_wait3A_310 = arith.constant 0 : i32
    %dma_wait3A_311 = tpu.memref_slice %arg2[%dma_wait3A_309, %dma_wait3A_310] : memref<1000x128xf32, #tpu.memory_space<hbm>> -> memref<128x128xf32, #tpu.memory_space<hbm>>
    %dma_wait3A_312 = arith.constant 0 : i32
    %dma_wait3A_313 = arith.constant 0 : i32
    %dma_wait3A_314 = tpu.memref_slice %arg2[%dma_wait3A_312, %dma_wait3A_313] : memref<1000x128xf32, #tpu.memory_space<hbm>> -> memref<128x128xf32, #tpu.memory_space<hbm>>
    tpu.wait_dma2 semaphore(%arg21 : memref<!tpu.dma_semaphore, #tpu.memory_space<semaphore_mem>>) src(%dma_wait3A_314 : memref<128x128xf32, #tpu.memory_space<hbm>>) dst(%arg17 : memref<128x128xf32, #tpu.memory_space<vmem>>)
    %add3A_315 = arith.constant 384 : i32
    %add3A_316 = arith.addi %mul3A_2, %add3A_315 : i32
    %dma_start3A_317 = arith.constant 0 : i32
    %dma_start3A_318 = tpu.memref_slice %arg11[%add3A_316, %dma_start3A_317] : memref<16384x128xf32, #tpu.memory_space<hbm>> -> memref<128x128xf32, #tpu.memory_space<hbm>>
    %dma_start3A_319 = arith.constant 0 : i32
    %dma_start3A_320 = tpu.memref_slice %arg11[%add3A_316, %dma_start3A_319] : memref<16384x128xf32, #tpu.memory_space<hbm>> -> memref<128x128xf32, #tpu.memory_space<hbm>>
    tpu.enqueue_dma source(%arg17 : memref<128x128xf32, #tpu.memory_space<vmem>>) target(%dma_start3A_320 : memref<128x128xf32, #tpu.memory_space<hbm>>) target_semaphore(%arg25 : memref<!tpu.dma_semaphore, #tpu.memory_space<semaphore_mem>>)
    %dma_wait3A_321 = arith.constant 0 : i32
    %dma_wait3A_322 = tpu.memref_slice %arg11[%mul3A_2, %dma_wait3A_321] : memref<16384x128xf32, #tpu.memory_space<hbm>> -> memref<128x128xf32, #tpu.memory_space<hbm>>
    %dma_wait3A_323 = arith.constant 0 : i32
    %dma_wait3A_324 = tpu.memref_slice %arg11[%mul3A_2, %dma_wait3A_323] : memref<16384x128xf32, #tpu.memory_space<hbm>> -> memref<128x128xf32, #tpu.memory_space<hbm>>
    tpu.wait_dma2 semaphore(%arg22 : memref<!tpu.dma_semaphore, #tpu.memory_space<semaphore_mem>>) src(%arg14 : memref<128x128xf32, #tpu.memory_space<vmem>>) dst(%dma_wait3A_324 : memref<128x128xf32, #tpu.memory_space<hbm>>)
    %dma_wait3A_325 = arith.constant 0 : i32
    %dma_wait3A_326 = tpu.memref_slice %arg11[%mul3A_2, %dma_wait3A_325] : memref<16384x128xf32, #tpu.memory_space<hbm>> -> memref<128x128xf32, #tpu.memory_space<hbm>>
    %dma_wait3A_327 = arith.constant 0 : i32
    %dma_wait3A_328 = tpu.memref_slice %arg11[%mul3A_2, %dma_wait3A_327] : memref<16384x128xf32, #tpu.memory_space<hbm>> -> memref<128x128xf32, #tpu.memory_space<hbm>>
    tpu.wait_dma2 semaphore(%arg23 : memref<!tpu.dma_semaphore, #tpu.memory_space<semaphore_mem>>) src(%arg15 : memref<128x128xf32, #tpu.memory_space<vmem>>) dst(%dma_wait3A_328 : memref<128x128xf32, #tpu.memory_space<hbm>>)
    %dma_wait3A_329 = arith.constant 0 : i32
    %dma_wait3A_330 = tpu.memref_slice %arg11[%mul3A_2, %dma_wait3A_329] : memref<16384x128xf32, #tpu.memory_space<hbm>> -> memref<128x128xf32, #tpu.memory_space<hbm>>
    %dma_wait3A_331 = arith.constant 0 : i32
    %dma_wait3A_332 = tpu.memref_slice %arg11[%mul3A_2, %dma_wait3A_331] : memref<16384x128xf32, #tpu.memory_space<hbm>> -> memref<128x128xf32, #tpu.memory_space<hbm>>
    tpu.wait_dma2 semaphore(%arg24 : memref<!tpu.dma_semaphore, #tpu.memory_space<semaphore_mem>>) src(%arg16 : memref<128x128xf32, #tpu.memory_space<vmem>>) dst(%dma_wait3A_332 : memref<128x128xf32, #tpu.memory_space<hbm>>)
    %dma_wait3A_333 = arith.constant 0 : i32
    %dma_wait3A_334 = tpu.memref_slice %arg11[%mul3A_2, %dma_wait3A_333] : memref<16384x128xf32, #tpu.memory_space<hbm>> -> memref<128x128xf32, #tpu.memory_space<hbm>>
    %dma_wait3A_335 = arith.constant 0 : i32
    %dma_wait3A_336 = tpu.memref_slice %arg11[%mul3A_2, %dma_wait3A_335] : memref<16384x128xf32, #tpu.memory_space<hbm>> -> memref<128x128xf32, #tpu.memory_space<hbm>>
    tpu.wait_dma2 semaphore(%arg25 : memref<!tpu.dma_semaphore, #tpu.memory_space<semaphore_mem>>) src(%arg17 : memref<128x128xf32, #tpu.memory_space<vmem>>) dst(%dma_wait3A_336 : memref<128x128xf32, #tpu.memory_space<hbm>>)
    return
  }
}

</mosaic_0001>

<sc_bundles>
// kernel: kernel.4.cloned.1.call-start
scs
__scs_entry_jumppad:
0x0: {  	(pc) =	sbr.rel $0x88, $3  }
0x1: {  	(tag) =	ssettag $0x0;
	lr =	simm.s32 $0x1  }
0x2: {  	[smem:$0x3F9C] =	sst lr;
	_ =	strace $0xD0000000  }
0x3: {  	_ = 	snop  }
0x4: {  	_ = 	snop  }
0x5: {  	_ = 	snop  }
0x6: {  	_ = 	snop  }
0x7: {  	_ = 	snop  }
__scs_overlays_trampoline_lowered:
0x8: {  	[smem:$0x3FAB] =	sst s0  }
0x9: {  	[smem:$0x3FAC] =	sst s1  }
0xa: {  	[smem:$0x3FAD] =	sst s2  }
0xb: {  	[smem:$0x3FAE] =	sst s3  }
0xc: {  	[smem:$0x3FAF] =	sst s4  }
0xd: {  	[smem:$0x3FB0] =	sst s5  }
0xe: {  	[smem:$0x3FB1] =	sst s6  }
0xf: {  	[smem:$0x3FB2] =	sst s7  }
0x10: {  	[smem:$0x3FB3] =	sst s8  }
0x11: {  	[smem:$0x3FB4] =	sst s9;
	s0 =	simm.s32 @!p0 $0x0  }
0x12: {  	s1 =	sld [smem:$0x3F9A];
	s0 =	simm.s32 @p0 $0x1  }
0x13: {  	[smem:$0x3FB5] =	sst s0;
	s0 =	simm.s32 @!p1 $0x0  }
0x14: {  	s2 =	sld [smem:$0x3F99];
	s0 =	simm.s32 @p1 $0x1  }
0x15: {  	[smem:$0x3FB6] =	sst s0;
	s0 =	simm.s32 @!p2 $0x0  }
0x16: {  	s3 =	sld [smem:$0x3FDB];
	s0 =	simm.s32 @p2 $0x1  }
0x17: {  	s4 =	simm.s32 $0x1BF5;
	[smem:$0x3FB8] =	sst s0  }
0x18: {  	s0 =	sld [smem:$0x3F9B];
	_ =	swait.ge [sflag:s4], $0x0  }
0x19: {  	s7 =	sld [smem:$0x3F9C]  }
0x1a: {  	s8 =	sadd.s32 $0xFFFFE003, lr  }
0x1b: {  	s9 =	sadd.s32 $0xFFFFFEF7, lr;
	s5 =	simm.s32 $0xFFFFFFFF;
	p2 =	slt.u32 s8, $0xFFFFF086  }
0x1c: {  	p1 =	slt.u32 s9, $0xF7A;
	s5 =	simm.s32 @!p2 $0x0  }
0x1d: {  	s5 =	simm.s32 @p1 $0x1;
	p0 =	seq.s32 s7, s2  }
0x1e: {  	s7 =	smul.u32 @!p0 $0xF7A, s2;
	p2 =	seq.s32 @!p0 s5, $0x0  }
0x1f: {  	s9 =	smul.u32 $0xF7A, s1;
	s8 =	simm.s32 @!p0 $0x1BF5;
	p2 =	por !p2, p0  }
0x20: {  	[sflag:s8] =	ssyncset.s32 @!p0 $0xFFFFF086;
	s6 =	sadd.s32 @!p0 s3, s7;
	s7 =	simm.s32 @!p0 $0x108  }
0x21: {  	s3 =	sadd.s32 s3, s9;
	s6 =	sadd.s32 @!p0 $0x88, s6;
	s7 =	simm.s32 @p2 $0x1082  }
0x22: {  	[simem:s7], [sflag:s8] =	dma.local @!p0 [hbm:s6], $0xF7A  }
0x23: {  	s9 =	sor.u32 $0xD0000000, s2;
	s6 =	simm.s32 $0x108;
	_ =	swait.ge @!p0 [sflag:s8], $0x0  }
0x24: {  	s3 =	sadd.s32 $0x88, s3;
	s6 =	simm.s32 @!p1 $0x1082;
	[sflag:s4] =	ssyncset.s32 $0xFFFFF086  }
0x25: {  	[simem:s6], [sflag:s4] =	dma.local [hbm:s3], $0xF7A  }
0x26: {  	[smem:$0x3F9C] =	sst s1;
	(tag) =	ssettag s2;
	_ =	strace s9  }
0x27: {  	s1 =	sld [smem:$0x3FAC]  }
0x28: {  	s2 =	sld [smem:$0x3FAD]  }
0x29: {  	s4 =	sld [smem:$0x3FAF]  }
0x2a: {  	p0 =	seq.s32 s5, $0x0;
	s5 =	sld [smem:$0x3FB0]  }
0x2b: {  	s6 =	sld [smem:$0x3FB1]  }
0x2c: {  	s7 =	sld [smem:$0x3FB2]  }
0x2d: {  	s3 =	simm.s32 $0x108;
	s8 =	sld [smem:$0x3FB3]  }
0x2e: {  	s3 =	simm.s32 @!p0 $0x1082;
	s9 =	sld [smem:$0x3FB4]  }
0x2f: {  	lr =	sadd.s32 s0, s3;
	s0 =	sld [smem:$0x3FAB]  }
0x30: {  	s3 =	sld [smem:$0x3FAE]  }
0x31: {  	[smem:$0x3FB7] =	sst s10  }
0x32: {  	s10 =	sld [smem:$0x3FB5];
	_ =	sdelay $0x3  }
0x33: {  	p0 =	seq.s32 s10, $0x1;
	s10 =	sld [smem:$0x3FB7];
	_ =	sdelay $0x3  }
0x34: {  	[smem:$0x3FB7] =	sst s10  }
0x35: {  	s10 =	sld [smem:$0x3FB6];
	_ =	sdelay $0x3  }
0x36: {  	p1 =	seq.s32 s10, $0x1;
	s10 =	sld [smem:$0x3FB7];
	_ =	sdelay $0x3  }
0x37: {  	[smem:$0x3FB7] =	sst s10  }
0x38: {  	s10 =	sld [smem:$0x3FB8]  }
0x39: {  	_ = 	snop;
	(pc) =	sbr.ind lr, $3  }
0x3a: {  	_ = 	snop  }
0x3b: {  	_ = 	snop  }
0x3c: {  	p2 =	seq.s32 s10, $0x1;
	s10 =	sld [smem:$0x3FB7]  }
0x3d: {  	_ =	shalt  }
0x3e: {  	_ =	shalt  }
0x3f: {  	_ =	shalt  }
0x40: {  	_ =	shalt  }
0x41: {  	_ =	shalt  }
0x42: {  	_ =	shalt  }
0x43: {  	_ =	shalt  }
0x44: {  	_ =	shalt  }
0x45: {  	_ =	shalt  }
0x46: {  	_ =	shalt  }
0x47: {  	_ =	shalt  }
0x48: {  	_ =	shalt  }
0x49: {  	_ =	shalt  }
0x4a: {  	_ =	shalt  }
0x4b: {  	_ =	shalt  }
0x4c: {  	_ =	shalt  }
0x4d: {  	_ =	shalt  }
0x4e: {  	_ =	shalt  }
0x4f: {  	_ =	shalt  }
0x50: {  	_ =	shalt  }
0x51: {  	_ =	shalt  }
0x52: {  	_ =	shalt  }
0x53: {  	_ =	shalt  }
0x54: {  	_ =	shalt  }
0x55: {  	_ =	shalt  }
0x56: {  	_ =	shalt  }
0x57: {  	_ =	shalt  }
0x58: {  	_ =	shalt  }
0x59: {  	_ =	shalt  }
0x5a: {  	_ =	shalt  }
0x5b: {  	_ =	shalt  }
0x5c: {  	_ =	shalt  }
0x5d: {  	_ =	shalt  }
0x5e: {  	_ =	shalt  }
0x5f: {  	_ =	shalt  }
0x60: {  	_ =	shalt  }
0x61: {  	_ =	shalt  }
0x62: {  	_ =	shalt  }
0x63: {  	_ =	shalt  }
0x64: {  	_ =	shalt  }
0x65: {  	_ =	shalt  }
0x66: {  	_ =	shalt  }
0x67: {  	_ =	shalt  }
0x68: {  	_ =	shalt  }
0x69: {  	_ =	shalt  }
0x6a: {  	_ =	shalt  }
0x6b: {  	_ =	shalt  }
0x6c: {  	_ =	shalt  }
0x6d: {  	_ =	shalt  }
0x6e: {  	_ =	shalt  }
0x6f: {  	_ =	shalt  }
0x70: {  	_ =	shalt  }
0x71: {  	_ =	shalt  }
0x72: {  	_ =	shalt  }
0x73: {  	_ =	shalt  }
0x74: {  	_ =	shalt  }
0x75: {  	_ =	shalt  }
0x76: {  	_ =	shalt  }
0x77: {  	_ =	shalt  }
0x78: {  	_ =	shalt  }
0x79: {  	_ =	shalt  }
0x7a: {  	_ =	shalt  }
0x7b: {  	_ =	shalt  }
0x7c: {  	_ =	shalt  }
0x7d: {  	_ =	shalt  }
0x7e: {  	_ =	shalt  }
0x7f: {  	_ =	shalt  }
0x80: {  	_ =	shalt  }
0x81: {  	_ =	shalt  }
0x82: {  	_ =	shalt  }
0x83: {  	_ =	shalt  }
0x84: {  	_ =	shalt  }
0x85: {  	_ =	shalt  }
0x86: {  	_ =	shalt  }
0x87: {  	_ =	shalt  }
.Lfunc_end0:
.L_simem_size_0:
called_computation_lowered:
.L_overlay_start_0:
0x88: {  	s2 =	sld [smem:$0x3FD9]  }
0x89: {  	s3 =	sld [smem:$0x3FFE];
	_ =	sdelay $0x1  }
0x8a: {  	s1 =	srdreg.scid  }
0x8b: {  	s0 =	sand.u32 $0x1, s1  }
0x8c: {  	s14 =	sshll.u32 s0, $0xA;
	s2 =	sadd.s32 s3, s2  }
0x8d: {  	s2 =	sadd.s32 s2, s14  }
0x8e: {  	[smem:$0x3FC3] =	sst s2  }
0x8f: {  	_ = 	snop  }
0x90: {  	s2 =	sld [smem:$0x3FD0];
	_ =	sdelay $0x1  }
0x91: {  	s15 =	sld [smem:$0x3FC8]  }
0x92: {  	s5 =	simm.s32 $0xB;
	s6 =	simm.s32 $0x10;
	s4 =	sld [smem:$0x3FC7]  }
0x93: {  	[smem:s6], [sflag:s5] =	dma.local [hbm:s2], $0x1  }
0x94: {  	_ =	swait.eq [sflag:s5], $0x1  }
0x95: {  	[sflag:s5] =	ssyncset.done $0x0  }
0x96: {  	s16 =	sld [smem:$0x10];
	[sflag:s5] =	ssyncadd.s32 $0xFFFFFFFF  }
0x97: {  	s17 =	sld [smem:$0x11];
	(tm) =	ssettm $0x1  }
0x98: {  	s18 =	sld [smem:$0x3FFB];
	_ =	sdelay $0x3  }
0x99: {  	_ =	strace s18  }
0x9a: {  	s6 =	sld [smem:$0x3FFC];
	_ =	sdelay $0x3  }
0x9b: {  	_ =	strace s6  }
0x9c: {  	s6 =	sld [smem:$0x3FFD];
	_ =	sdelay $0x3  }
0x9d: {  	_ =	strace s6  }
0x9e: {  	_ =	strace $0x8FFFFFFF  }
0x9f: {  	s19 =	sld [smem:$0x3FDB];
	_ =	sdelay $0x1  }
0xa0: {  	s7 =	simm.s32 $_scs_section_size  }
0xa1: {  	s8 =	simm.s32 $_size__tile_overlayer_lowered;
	s9 =	simm.s32 $_tile_overlayer_lowered  }
0xa2: {  	s22 =	simm.s32 $0x1BFF;
	s21 =	sshll.u32 s9, $0x1;
	s6 =	sadd.s32 s7, s19  }
0xa3: {  	s10 =	simm.s32 $0x0;
	s20 =	sshll.u32 s8, $0x1;
	s8 =	sadd.s32 s21, s6  }
0xa4: {  	[timem:s10], [sflag:s22] =	dma.local [hbm:s8], s20  }
0xa5: {  	_ =	swait.ge [sflag:s22], s20  }
0xa6: {  	s7 =	ssub.s32 $0x0, s20;
	[sflag:s22] =	ssyncset.done $0x0  }
0xa7: {  	[sflag:s22] =	ssyncadd.s32 s7;
	_ =	sdelay $0x1  }
0xa8: {  	s23 =	simm.s32 $0x1B8B  }
0xa9: {  	_ =	swait.ge [sflag:s23], $0x1  }
0xaa: {  	[sflag:s23] =	ssyncset.done $0x0  }
0xab: {  	s25 =	simm.s32 $0x1B8E;
	s24 =	sld [smem:$0x3FFE];
	[sflag:s23] =	ssyncadd.s32 $0xFFFFFFFF  }
0xac: {  	s26 =	simm.s32 $execute0_lowered;
	[smem:$0x3FD2] =	sst s25  }
0xad: {  	s8 =	sshll.u32 s26, $0x1;
	_ =	strace $0x80000046;
	[dreg:$0x1] =	wrdreg $0xFFFFFFFF  }
0xae: {  	s28 =	simm.s32 $_size_execute0_lowered;
	s6 =	sadd.s32 s6, s8;
	[dreg:$0x0] =	wrdreg $0x0  }
0xaf: {  	s8 =	sshll.u32 s28, $0x1;
	[dreg:$0x2] =	wrdreg s6  }
0xb0: {  	[dreg:$0x3] =	wrdreg s8  }
0xb1: {  	[dreg:$0x4] =	wrdreg $0xC0  }
0xb2: {  	_ =	task [dreg:s10], $0x5FFFF  }
0xb3: {  	[dreg:$0x1] =	wrdreg $0xFFFFFFFF  }
0xb4: {  	[dreg:$0x0] =	wrdreg $0x60  }
0xb5: {  	[dreg:$0x2] =	wrdreg s15  }
0xb6: {  	[dreg:$0x3] =	wrdreg s4  }
0xb7: {  	[dreg:$0x4] =	wrdreg s16  }
0xb8: {  	[dreg:$0x5] =	wrdreg s17  }
0xb9: {  	[dreg:$0x6] =	wrdreg s24  }
0xba: {  	[dreg:$0x7] =	wrdreg $0x9  }
0xbb: {  	_ =	task.clear_ibuf [dreg:s10], $0x8FFFF;
	_ =	strace $0x90000046  }
0xbc: {  	s29 =	simm.s32 $0x9;
	_ =	strace $0x80000048  }
0xbd: {  	_ =	swait.ge [sflag:s29], $0x1  }
0xbe: {  	[sflag:s29] =	ssyncadd.s32 $0xFFFFFFFF  }
0xbf: {  	_ =	strace $0x90000048  }
0xc0: {  	_ =	sfence  }
0xc1: {  	s30 =	sld [smem:$0x0];
	_ =	sdelay $0x2  }
0xc2: {  	s31 =	sshll.u32 s1, $0xD;
	s1 =	sshrl.u32 s1, $0x2  }
0xc3: {  	s3 =	sand.u32 $0x4000, s31;
	s1 =	sadd.s32 s1, s30  }
0xc4: {  	s0 =	sor.u32 s3, s0;
	s1 =	sshll.u32 s1, $0x11  }
0xc5: {  	s0 =	sor.u32 s1, s0  }
0xc6: {  	s0 =	sadd.s32 $0x8F2B, s0  }
0xc7: {  	[sflag:s0] =	ssyncadd.remote.s32 $0x1  }
0xc8: {  	_ =	sfence.sel $0xFFFF  }
0xc9: {  	[dreg:$0x0] =	wrdreg $0xFFFFFFFF;
	(pc) =	sbr.abs _section_cstart, $3  }
0xca: {  	[dreg:$0x1] =	wrdreg $0xFFFFFFFF  }
0xcb: {  	_ =	task.clear_ibuf [dreg:s10], $0x2FFFF;
	_ =	strace $0x9FFFFFFF  }
0xcc: {  	(tm) =	ssettm $0x7FFFFFFF  }
0xcd: {  	_ =	shalt  }
tec
execute0_lowered:
.L_overlay_start_1:
0x0: {  	(tag) =	ssettag $0x1  }
0x1: {  	s1 =	rddreg [dreg:$0x0]  }
0x2: {  	s2 =	rddreg [dreg:$0x1];
	s3 =	srdreg.scid  }
0x3: {  	s5 =	rddreg [dreg:$0x2];
	s0 =	stileid.u32;
	s31 =	sand.u32 $0x1, s3  }
0x4: {  	s24 =	rddreg [dreg:$0x3];
	s6 =	sshll.u32 s0, $0xA;
	s7 =	sshll.u32 s31, $0x9  }
0x5: {  	s26 =	rddreg [dreg:$0x4];
	s4 =	simm.s32 $0x0;
	s15 =	sor.u32 s7, s6  }
0x6: {  	[smem:$0x7FF] =	sst s4;
	s6 =	sshrl.u32 s15, $0x3  }
0x7: {  	_ =	strace $0x80000047;
	s5 =	sadd.s32 s5, s6;
	s6 =	simm.s32 $0x9  }
0x8: {  	[tilespmem:s4], [sflag:$0x9] =	stream.linear.gather [hbm4b:s5+s4], $0x200, $0x38;
	[tilespmem:$0x10200] =	vst v63  }
0x9: {  	_ =	swait.ge [sflag:s6], $0x200  }
0xa: {  	[sflag:s6] =	ssyncset.done $0x0  }
0xb: {  	s8 =	simm.s32 $0x200;
	s7 =	simm.s32 $0x80;
	[sflag:s6] =	ssyncadd.s32 $0xFFFFFE00  }
0xc: {  	[tilespmem:s8], [sflag:$0x1] =	stream.indirect.gather [hbm4b:s1+s7], $0x80, s4, s7, $0xb8;
	[tilespmem:$0x10200] =	vst v63  }
0xd: {  	s9 =	simm.s32 $0x4200  }
0xe: {  	[tilespmem:s9], [sflag:$0x2] =	stream.indirect.gather [hbm4b:s1+s7], $0x80, s7, s7, $0xb8;
	[tilespmem:$0x10200] =	vst v63  }
0xf: {  	s10 =	simm.s32 $0x100;
	s11 =	simm.s32 $0x8200  }
0x10: {  	[tilespmem:s11], [sflag:$0x3] =	stream.indirect.gather [hbm4b:s1+s7], $0x80, s10, s7, $0xb8;
	[tilespmem:$0x10200] =	vst v63  }
0x11: {  	s12 =	simm.s32 $0x180;
	s13 =	simm.s32 $0xC200;
	s14 =	simm.s32 $0x1  }
0x12: {  	[tilespmem:s13], [sflag:$0x4] =	stream.indirect.gather [hbm4b:s1+s7], $0x80, s12, s7, $0xb8;
	[tilespmem:$0x10200] =	vst v63  }
0x13: {  	_ =	swait.ge [sflag:s14], $0x4000  }
0x14: {  	s28 =	sshll.u32 s15, $0x4;
	[sflag:s14] =	ssyncset.done $0x0  }
0x15: {  	s16 =	simm.s32 $0x5;
	s15 =	sadd.s32 s24, s28;
	[sflag:s14] =	ssyncadd.s32 $0xFFFFC000  }
0x16: {  	[hbm4b:s15+s4] =	stream.linear.scatter [tilespmem:s8], [sflag:$0x5], $0x4000, $0x38;
	[tilespmem:$0x10200] =	vst v63  }
0x17: {  	_ =	swait.ge [sflag:s16], $0x4000  }
0x18: {  	[sflag:s16] =	ssyncset.done $0x0  }
0x19: {  	s17 =	simm.s32 $0x2;
	[sflag:s16] =	ssyncadd.s32 $0xFFFFC000  }
0x1a: {  	[tilespmem:s8], [sflag:$0x1] =	stream.indirect.gather [hbm4b:s2+s7], $0x80, s4, s7, $0xb8;
	[tilespmem:$0x10200] =	vst v63  }
0x1b: {  	_ =	swait.ge [sflag:s17], $0x4000  }
0x1c: {  	s29 =	sor.u32 $0x800, s28;
	[sflag:s17] =	ssyncset.done $0x0  }
0x1d: {  	s19 =	simm.s32 $0x6;
	s18 =	sadd.s32 s24, s29;
	[sflag:s17] =	ssyncadd.s32 $0xFFFFC000  }
0x1e: {  	[hbm4b:s18+s4] =	stream.linear.scatter [tilespmem:s9], [sflag:$0x6], $0x4000, $0x38;
	[tilespmem:$0x10200] =	vst v63  }
0x1f: {  	_ =	swait.ge [sflag:s19], $0x4000  }
0x20: {  	[sflag:s19] =	ssyncset.done $0x0  }
0x21: {  	s20 =	simm.s32 $0x3;
	[sflag:s19] =	ssyncadd.s32 $0xFFFFC000  }
0x22: {  	[tilespmem:s9], [sflag:$0x2] =	stream.indirect.gather [hbm4b:s2+s7], $0x80, s7, s7, $0xb8;
	[tilespmem:$0x10200] =	vst v63  }
0x23: {  	_ =	swait.ge [sflag:s20], $0x4000  }
0x24: {  	s30 =	sor.u32 $0x1000, s28;
	[sflag:s20] =	ssyncset.done $0x0  }
0x25: {  	s22 =	simm.s32 $0x7;
	s21 =	sadd.s32 s24, s30;
	[sflag:s20] =	ssyncadd.s32 $0xFFFFC000  }
0x26: {  	[hbm4b:s21+s4] =	stream.linear.scatter [tilespmem:s11], [sflag:$0x7], $0x4000, $0x38;
	[tilespmem:$0x10200] =	vst v63  }
0x27: {  	_ =	swait.ge [sflag:s22], $0x4000  }
0x28: {  	[sflag:s22] =	ssyncset.done $0x0  }
0x29: {  	s23 =	simm.s32 $0x4;
	[sflag:s22] =	ssyncadd.s32 $0xFFFFC000  }
0x2a: {  	[tilespmem:s11], [sflag:$0x3] =	stream.indirect.gather [hbm4b:s2+s7], $0x80, s10, s7, $0xb8;
	[tilespmem:$0x10200] =	vst v63  }
0x2b: {  	_ =	swait.ge [sflag:s23], $0x4000  }
0x2c: {  	s3 =	sor.u32 $0x1800, s28;
	[sflag:s23] =	ssyncset.done $0x0  }
0x2d: {  	s25 =	simm.s32 $0x8;
	s24 =	sadd.s32 s24, s3;
	[sflag:s23] =	ssyncadd.s32 $0xFFFFC000  }
0x2e: {  	[hbm4b:s24+s4] =	stream.linear.scatter [tilespmem:s13], [sflag:$0x8], $0x4000, $0x38;
	[tilespmem:$0x10200] =	vst v63  }
0x2f: {  	_ =	swait.ge [sflag:s25], $0x4000  }
0x30: {  	[sflag:s25] =	ssyncset.done $0x0  }
0x31: {  	[sflag:s25] =	ssyncadd.s32 $0xFFFFC000  }
0x32: {  	[tilespmem:s13], [sflag:$0x4] =	stream.indirect.gather [hbm4b:s2+s7], $0x80, s12, s7, $0xb8;
	[tilespmem:$0x10200] =	vst v63  }
0x33: {  	_ =	swait.ge [sflag:s14], $0x4000  }
0x34: {  	s0 =	sadd.s32 $0x2200, s26;
	[sflag:s14] =	ssyncset.done $0x0  }
0x35: {  	s26 =	sadd.s32 s0, s28;
	[sflag:s14] =	ssyncadd.s32 $0xFFFFC000  }
0x36: {  	[hbm4b:s26+s4] =	stream.linear.scatter [tilespmem:s8], [sflag:$0x5], $0x4000, $0x38;
	[tilespmem:$0x10200] =	vst v63  }
0x37: {  	_ =	swait.ge [sflag:s17], $0x4000  }
0x38: {  	[sflag:s17] =	ssyncset.done $0x0  }
0x39: {  	s28 =	sadd.s32 s0, s29;
	[sflag:s17] =	ssyncadd.s32 $0xFFFFC000  }
0x3a: {  	[hbm4b:s28+s4] =	stream.linear.scatter [tilespmem:s9], [sflag:$0x6], $0x4000, $0x38;
	[tilespmem:$0x10200] =	vst v63  }
0x3b: {  	_ =	swait.ge [sflag:s20], $0x4000  }
0x3c: {  	[sflag:s20] =	ssyncset.done $0x0  }
0x3d: {  	s29 =	sadd.s32 s0, s30;
	[sflag:s20] =	ssyncadd.s32 $0xFFFFC000  }
0x3e: {  	[hbm4b:s29+s4] =	stream.linear.scatter [tilespmem:s11], [sflag:$0x7], $0x4000, $0x38;
	[tilespmem:$0x10200] =	vst v63  }
0x3f: {  	_ =	swait.ge [sflag:s23], $0x4000  }
0x40: {  	[sflag:s23] =	ssyncset.done $0x0  }
0x41: {  	s30 =	sadd.s32 s0, s3;
	[sflag:s23] =	ssyncadd.s32 $0xFFFFC000  }
0x42: {  	[hbm4b:s30+s4] =	stream.linear.scatter [tilespmem:s13], [sflag:$0x8], $0x4000, $0x38;
	[tilespmem:$0x10200] =	vst v63  }
0x43: {  	_ =	swait.ge [sflag:s16], $0x4000  }
0x44: {  	s0 =	ssub.s32 $0x2, s31;
	[sflag:s16] =	ssyncset.done $0x0  }
0x45: {  	s3 =	sshrl.u32 s0, $0x1;
	[sflag:s16] =	ssyncadd.s32 $0xFFFFC000  }
0x46: {  	s0 =	ssub.s32 s0, s3;
	_ =	swait.ge [sflag:s19], $0x4000  }
0x47: {  	s0 =	smax.u32 s0, $0x1;
	[sflag:s19] =	ssyncset.done $0x0  }
0x48: {  	p0 =	sne.s32 s0, $0x1;
	[sflag:s19] =	ssyncadd.s32 $0xFFFFC000  }
.Ltmp0:
0x49: {  	_ =	swait.ge [sflag:s22], $0x4000;
	(pc) =	sbr.rel @!p0 .LBB2_2-.Ltmp0, $4  }
0x4a: {  	[sflag:s22] =	ssyncset.done $0x0  }
0x4b: {  	[sflag:s22] =	ssyncadd.s32 $0xFFFFC000  }
0x4c: {  	_ =	swait.ge [sflag:s25], $0x4000  }
0x4d: {  	s31 =	sadd.s32 $0xFFFFFFFF, s0;
	[sflag:s25] =	ssyncset.done $0x0  }
.LBB2_1:
0x4e: {  	p0 =	sne.s32 s31, $0x1;
	s31 =	sadd.s32 $0xFFFFFFFF, s31;
	[sflag:s25] =	ssyncadd.s32 $0xFFFFC000  }
0x4f: {  	[tilespmem:s4], [sflag:$0x9] =	stream.linear.gather [hbm4b:s5+s4], $0x200, $0x38;
	[tilespmem:$0x10200] =	vst v63  }
0x50: {  	_ =	swait.ge [sflag:s6], $0x200  }
0x51: {  	[sflag:s6] =	ssyncset.done $0x0  }
0x52: {  	[sflag:s6] =	ssyncadd.s32 $0xFFFFFE00  }
0x53: {  	[tilespmem:s8], [sflag:$0x1] =	stream.indirect.gather [hbm4b:s1+s7], $0x80, s4, s7, $0xb8;
	[tilespmem:$0x10200] =	vst v63  }
0x54: {  	_ = 	snop  }
0x55: {  	[tilespmem:s9], [sflag:$0x2] =	stream.indirect.gather [hbm4b:s1+s7], $0x80, s7, s7, $0xb8;
	[tilespmem:$0x10200] =	vst v63  }
0x56: {  	_ = 	snop  }
0x57: {  	[tilespmem:s11], [sflag:$0x3] =	stream.indirect.gather [hbm4b:s1+s7], $0x80, s10, s7, $0xb8;
	[tilespmem:$0x10200] =	vst v63  }
0x58: {  	_ = 	snop  }
0x59: {  	[tilespmem:s13], [sflag:$0x4] =	stream.indirect.gather [hbm4b:s1+s7], $0x80, s12, s7, $0xb8;
	[tilespmem:$0x10200] =	vst v63  }
0x5a: {  	_ =	swait.ge [sflag:s14], $0x4000  }
0x5b: {  	[sflag:s14] =	ssyncset.done $0x0  }
0x5c: {  	[sflag:s14] =	ssyncadd.s32 $0xFFFFC000  }
0x5d: {  	[hbm4b:s15+s4] =	stream.linear.scatter [tilespmem:s8], [sflag:$0x5], $0x4000, $0x38;
	[tilespmem:$0x10200] =	vst v63  }
0x5e: {  	_ =	swait.ge [sflag:s16], $0x4000  }
0x5f: {  	[sflag:s16] =	ssyncset.done $0x0  }
0x60: {  	[sflag:s16] =	ssyncadd.s32 $0xFFFFC000  }
0x61: {  	[tilespmem:s8], [sflag:$0x1] =	stream.indirect.gather [hbm4b:s2+s7], $0x80, s4, s7, $0xb8;
	[tilespmem:$0x10200] =	vst v63  }
0x62: {  	_ =	swait.ge [sflag:s17], $0x4000  }
0x63: {  	[sflag:s17] =	ssyncset.done $0x0  }
0x64: {  	[sflag:s17] =	ssyncadd.s32 $0xFFFFC000  }
0x65: {  	[hbm4b:s18+s4] =	stream.linear.scatter [tilespmem:s9], [sflag:$0x6], $0x4000, $0x38;
	[tilespmem:$0x10200] =	vst v63  }
0x66: {  	_ =	swait.ge [sflag:s19], $0x4000  }
0x67: {  	[sflag:s19] =	ssyncset.done $0x0  }
0x68: {  	[sflag:s19] =	ssyncadd.s32 $0xFFFFC000  }
0x69: {  	[tilespmem:s9], [sflag:$0x2] =	stream.indirect.gather [hbm4b:s2+s7], $0x80, s7, s7, $0xb8;
	[tilespmem:$0x10200] =	vst v63  }
0x6a: {  	_ =	swait.ge [sflag:s20], $0x4000  }
0x6b: {  	[sflag:s20] =	ssyncset.done $0x0  }
0x6c: {  	[sflag:s20] =	ssyncadd.s32 $0xFFFFC000  }
0x6d: {  	[hbm4b:s21+s4] =	stream.linear.scatter [tilespmem:s11], [sflag:$0x7], $0x4000, $0x38;
	[tilespmem:$0x10200] =	vst v63  }
0x6e: {  	_ =	swait.ge [sflag:s22], $0x4000  }
0x6f: {  	[sflag:s22] =	ssyncset.done $0x0  }
0x70: {  	[sflag:s22] =	ssyncadd.s32 $0xFFFFC000  }
0x71: {  	[tilespmem:s11], [sflag:$0x3] =	stream.indirect.gather [hbm4b:s2+s7], $0x80, s10, s7, $0xb8;
	[tilespmem:$0x10200] =	vst v63  }
0x72: {  	_ =	swait.ge [sflag:s23], $0x4000  }
0x73: {  	[sflag:s23] =	ssyncset.done $0x0  }
0x74: {  	[sflag:s23] =	ssyncadd.s32 $0xFFFFC000  }
0x75: {  	[hbm4b:s24+s4] =	stream.linear.scatter [tilespmem:s13], [sflag:$0x8], $0x4000, $0x38;
	[tilespmem:$0x10200] =	vst v63  }
0x76: {  	_ =	swait.ge [sflag:s25], $0x4000  }
0x77: {  	[sflag:s25] =	ssyncset.done $0x0  }
0x78: {  	[sflag:s25] =	ssyncadd.s32 $0xFFFFC000  }
0x79: {  	[tilespmem:s13], [sflag:$0x4] =	stream.indirect.gather [hbm4b:s2+s7], $0x80, s12, s7, $0xb8;
	[tilespmem:$0x10200] =	vst v63  }
0x7a: {  	_ =	swait.ge [sflag:s14], $0x4000  }
0x7b: {  	[sflag:s14] =	ssyncset.done $0x0  }
0x7c: {  	[sflag:s14] =	ssyncadd.s32 $0xFFFFC000  }
0x7d: {  	[hbm4b:s26+s4] =	stream.linear.scatter [tilespmem:s8], [sflag:$0x5], $0x4000, $0x38;
	[tilespmem:$0x10200] =	vst v63  }
0x7e: {  	_ =	swait.ge [sflag:s17], $0x4000  }
0x7f: {  	[sflag:s17] =	ssyncset.done $0x0  }
0x80: {  	[sflag:s17] =	ssyncadd.s32 $0xFFFFC000  }
0x81: {  	[hbm4b:s28+s4] =	stream.linear.scatter [tilespmem:s9], [sflag:$0x6], $0x4000, $0x38;
	[tilespmem:$0x10200] =	vst v63  }
0x82: {  	_ =	swait.ge [sflag:s20], $0x4000  }
0x83: {  	[sflag:s20] =	ssyncset.done $0x0  }
0x84: {  	[sflag:s20] =	ssyncadd.s32 $0xFFFFC000  }
0x85: {  	[hbm4b:s29+s4] =	stream.linear.scatter [tilespmem:s11], [sflag:$0x7], $0x4000, $0x38;
	[tilespmem:$0x10200] =	vst v63  }
0x86: {  	_ =	swait.ge [sflag:s23], $0x4000  }
0x87: {  	[sflag:s23] =	ssyncset.done $0x0  }
0x88: {  	[sflag:s23] =	ssyncadd.s32 $0xFFFFC000  }
0x89: {  	[hbm4b:s30+s4] =	stream.linear.scatter [tilespmem:s13], [sflag:$0x8], $0x4000, $0x38;
	[tilespmem:$0x10200] =	vst v63  }
0x8a: {  	_ =	swait.ge [sflag:s16], $0x4000  }
0x8b: {  	[sflag:s16] =	ssyncset.done $0x0  }
0x8c: {  	[sflag:s16] =	ssyncadd.s32 $0xFFFFC000  }
0x8d: {  	_ =	swait.ge [sflag:s19], $0x4000  }
0x8e: {  	[sflag:s19] =	ssyncset.done $0x0  }
0x8f: {  	[sflag:s19] =	ssyncadd.s32 $0xFFFFC000  }
.Ltmp1:
0x90: {  	_ =	swait.ge [sflag:s22], $0x4000;
	(pc) =	sbr.rel @p0 .LBB2_1-.Ltmp1, $4  }
0x91: {  	[sflag:s22] =	ssyncset.done $0x0  }
0x92: {  	[sflag:s22] =	ssyncadd.s32 $0xFFFFC000  }
0x93: {  	_ =	swait.ge [sflag:s25], $0x4000  }
0x94: {  	[sflag:s25] =	ssyncset.done $0x0  }
.LBB2_2:
0x95: {  	[sflag:s25] =	ssyncadd.s32 $0xFFFFC000  }
0x96: {  	_ =	sfence.sel $0x180000  }
0x97: {  	[bflag:$0x0] =	sbarrier.arrive $0xFFFF  }
0x98: {  	_ =	strace $0x90000047  }
0x99: {  	s0 =	stileid.u32;
	[bflag:$0x2] =	sbarrier.arrive $0xFFFF  }
0x9a: {  	p0 =	sne.s32 s0, $0x0;
	s0 =	rddreg [dreg:$0x5]  }
0x9b: {  	s0 =	sadd.s32 @!p0 $0x100000, s0  }
0x9c: {  	[sflag:s0] =	ssyncadd.tile.s32 @!p0 $0x1;
	_ =	shalt  }
.Lfunc_end2:
_tile_overlayer_lowered:
.L_overlay_start_2:
0x9d: {  	(tag) =	ssettag $0x2  }
0x9e: {  	s0 =	rddreg [dreg:$0x0];
	s2 =	stileid.u32  }
0x9f: {  	s1 =	rddreg [dreg:$0x1];
	p0 =	sne.s32 s2, $0x0  }
0xa0: {  	s3 =	rddreg [dreg:$0x2];
	[bflag:$0x3] =	sbarrier.arrive $0xFFFF;
	s2 =	simm.s32 @!p0 $0x1C09  }
0xa1: {  	[timem:s3], [sflag:s2] =	dma.local @!p0 [hbm:s0], s1  }
0xa2: {  	s0 =	simm.s32 @!p0 $0x9  }
0xa3: {  	_ =	swait.ge @!p0 [sflag:s0], s1  }
0xa4: {  	s1 =	ssub.s32 @!p0 $0x0, s1;
	[sflag:s0] =	ssyncset.done @!p0 $0x0  }
0xa5: {  	[sflag:s0] =	ssyncadd.s32 @!p0 s1  }
0xa6: {  	[bflag:$0x3] =	sbarrier.arrive $0xFFFF  }
0xa7: {  	_ =	shalt  }

// kernel: kernel.7.cloned.1.call-start
scs
__scs_entry_jumppad:
0x0: {  	(pc) =	sbr.rel $0x88, $3  }
0x1: {  	(tag) =	ssettag $0x0;
	lr =	simm.s32 $0x1  }
0x2: {  	[smem:$0x3F9C] =	sst lr;
	_ =	strace $0xD0000000  }
0x3: {  	_ = 	snop  }
0x4: {  	_ = 	snop  }
0x5: {  	_ = 	snop  }
0x6: {  	_ = 	snop  }
0x7: {  	_ = 	snop  }
__scs_overlays_trampoline_lowered:
0x8: {  	[smem:$0x3FAB] =	sst s0  }
0x9: {  	[smem:$0x3FAC] =	sst s1  }
0xa: {  	[smem:$0x3FAD] =	sst s2  }
0xb: {  	[smem:$0x3FAE] =	sst s3  }
0xc: {  	[smem:$0x3FAF] =	sst s4  }
0xd: {  	[smem:$0x3FB0] =	sst s5  }
0xe: {  	[smem:$0x3FB1] =	sst s6  }
0xf: {  	[smem:$0x3FB2] =	sst s7  }
0x10: {  	[smem:$0x3FB3] =	sst s8  }
0x11: {  	[smem:$0x3FB4] =	sst s9;
	s0 =	simm.s32 @!p0 $0x0  }
0x12: {  	s1 =	sld [smem:$0x3F9A];
	s0 =	simm.s32 @p0 $0x1  }
0x13: {  	[smem:$0x3FB5] =	sst s0;
	s0 =	simm.s32 @!p1 $0x0  }
0x14: {  	s2 =	sld [smem:$0x3F99];
	s0 =	simm.s32 @p1 $0x1  }
0x15: {  	[smem:$0x3FB6] =	sst s0;
	s0 =	simm.s32 @!p2 $0x0  }
0x16: {  	s3 =	sld [smem:$0x3FDB];
	s0 =	simm.s32 @p2 $0x1  }
0x17: {  	s4 =	simm.s32 $0x1BF5;
	[smem:$0x3FB8] =	sst s0  }
0x18: {  	s0 =	sld [smem:$0x3F9B];
	_ =	swait.ge [sflag:s4], $0x0  }
0x19: {  	s7 =	sld [smem:$0x3F9C]  }
0x1a: {  	s8 =	sadd.s32 $0xFFFFE003, lr  }
0x1b: {  	s9 =	sadd.s32 $0xFFFFFEF7, lr;
	s5 =	simm.s32 $0xFFFFFFFF;
	p2 =	slt.u32 s8, $0xFFFFF086  }
0x1c: {  	p1 =	slt.u32 s9, $0xF7A;
	s5 =	simm.s32 @!p2 $0x0  }
0x1d: {  	s5 =	simm.s32 @p1 $0x1;
	p0 =	seq.s32 s7, s2  }
0x1e: {  	s7 =	smul.u32 @!p0 $0xF7A, s2;
	p2 =	seq.s32 @!p0 s5, $0x0  }
0x1f: {  	s9 =	smul.u32 $0xF7A, s1;
	s8 =	simm.s32 @!p0 $0x1BF5;
	p2 =	por !p2, p0  }
0x20: {  	[sflag:s8] =	ssyncset.s32 @!p0 $0xFFFFF086;
	s6 =	sadd.s32 @!p0 s3, s7;
	s7 =	simm.s32 @!p0 $0x108  }
0x21: {  	s3 =	sadd.s32 s3, s9;
	s6 =	sadd.s32 @!p0 $0x88, s6;
	s7 =	simm.s32 @p2 $0x1082  }
0x22: {  	[simem:s7], [sflag:s8] =	dma.local @!p0 [hbm:s6], $0xF7A  }
0x23: {  	s9 =	sor.u32 $0xD0000000, s2;
	s6 =	simm.s32 $0x108;
	_ =	swait.ge @!p0 [sflag:s8], $0x0  }
0x24: {  	s3 =	sadd.s32 $0x88, s3;
	s6 =	simm.s32 @!p1 $0x1082;
	[sflag:s4] =	ssyncset.s32 $0xFFFFF086  }
0x25: {  	[simem:s6], [sflag:s4] =	dma.local [hbm:s3], $0xF7A  }
0x26: {  	[smem:$0x3F9C] =	sst s1;
	(tag) =	ssettag s2;
	_ =	strace s9  }
0x27: {  	s1 =	sld [smem:$0x3FAC]  }
0x28: {  	s2 =	sld [smem:$0x3FAD]  }
0x29: {  	s4 =	sld [smem:$0x3FAF]  }
0x2a: {  	p0 =	seq.s32 s5, $0x0;
	s5 =	sld [smem:$0x3FB0]  }
0x2b: {  	s6 =	sld [smem:$0x3FB1]  }
0x2c: {  	s7 =	sld [smem:$0x3FB2]  }
0x2d: {  	s3 =	simm.s32 $0x108;
	s8 =	sld [smem:$0x3FB3]  }
0x2e: {  	s3 =	simm.s32 @!p0 $0x1082;
	s9 =	sld [smem:$0x3FB4]  }
0x2f: {  	lr =	sadd.s32 s0, s3;
	s0 =	sld [smem:$0x3FAB]  }
0x30: {  	s3 =	sld [smem:$0x3FAE]  }
0x31: {  	[smem:$0x3FB7] =	sst s10  }
0x32: {  	s10 =	sld [smem:$0x3FB5];
	_ =	sdelay $0x3  }
0x33: {  	p0 =	seq.s32 s10, $0x1;
	s10 =	sld [smem:$0x3FB7];
	_ =	sdelay $0x3  }
0x34: {  	[smem:$0x3FB7] =	sst s10  }
0x35: {  	s10 =	sld [smem:$0x3FB6];
	_ =	sdelay $0x3  }
0x36: {  	p1 =	seq.s32 s10, $0x1;
	s10 =	sld [smem:$0x3FB7];
	_ =	sdelay $0x3  }
0x37: {  	[smem:$0x3FB7] =	sst s10  }
0x38: {  	s10 =	sld [smem:$0x3FB8]  }
0x39: {  	_ = 	snop;
	(pc) =	sbr.ind lr, $3  }
0x3a: {  	_ = 	snop  }
0x3b: {  	_ = 	snop  }
0x3c: {  	p2 =	seq.s32 s10, $0x1;
	s10 =	sld [smem:$0x3FB7]  }
0x3d: {  	_ =	shalt  }
0x3e: {  	_ =	shalt  }
0x3f: {  	_ =	shalt  }
0x40: {  	_ =	shalt  }
0x41: {  	_ =	shalt  }
0x42: {  	_ =	shalt  }
0x43: {  	_ =	shalt  }
0x44: {  	_ =	shalt  }
0x45: {  	_ =	shalt  }
0x46: {  	_ =	shalt  }
0x47: {  	_ =	shalt  }
0x48: {  	_ =	shalt  }
0x49: {  	_ =	shalt  }
0x4a: {  	_ =	shalt  }
0x4b: {  	_ =	shalt  }
0x4c: {  	_ =	shalt  }
0x4d: {  	_ =	shalt  }
0x4e: {  	_ =	shalt  }
0x4f: {  	_ =	shalt  }
0x50: {  	_ =	shalt  }
0x51: {  	_ =	shalt  }
0x52: {  	_ =	shalt  }
0x53: {  	_ =	shalt  }
0x54: {  	_ =	shalt  }
0x55: {  	_ =	shalt  }
0x56: {  	_ =	shalt  }
0x57: {  	_ =	shalt  }
0x58: {  	_ =	shalt  }
0x59: {  	_ =	shalt  }
0x5a: {  	_ =	shalt  }
0x5b: {  	_ =	shalt  }
0x5c: {  	_ =	shalt  }
0x5d: {  	_ =	shalt  }
0x5e: {  	_ =	shalt  }
0x5f: {  	_ =	shalt  }
0x60: {  	_ =	shalt  }
0x61: {  	_ =	shalt  }
0x62: {  	_ =	shalt  }
0x63: {  	_ =	shalt  }
0x64: {  	_ =	shalt  }
0x65: {  	_ =	shalt  }
0x66: {  	_ =	shalt  }
0x67: {  	_ =	shalt  }
0x68: {  	_ =	shalt  }
0x69: {  	_ =	shalt  }
0x6a: {  	_ =	shalt  }
0x6b: {  	_ =	shalt  }
0x6c: {  	_ =	shalt  }
0x6d: {  	_ =	shalt  }
0x6e: {  	_ =	shalt  }
0x6f: {  	_ =	shalt  }
0x70: {  	_ =	shalt  }
0x71: {  	_ =	shalt  }
0x72: {  	_ =	shalt  }
0x73: {  	_ =	shalt  }
0x74: {  	_ =	shalt  }
0x75: {  	_ =	shalt  }
0x76: {  	_ =	shalt  }
0x77: {  	_ =	shalt  }
0x78: {  	_ =	shalt  }
0x79: {  	_ =	shalt  }
0x7a: {  	_ =	shalt  }
0x7b: {  	_ =	shalt  }
0x7c: {  	_ =	shalt  }
0x7d: {  	_ =	shalt  }
0x7e: {  	_ =	shalt  }
0x7f: {  	_ =	shalt  }
0x80: {  	_ =	shalt  }
0x81: {  	_ =	shalt  }
0x82: {  	_ =	shalt  }
0x83: {  	_ =	shalt  }
0x84: {  	_ =	shalt  }
0x85: {  	_ =	shalt  }
0x86: {  	_ =	shalt  }
0x87: {  	_ =	shalt  }
.Lfunc_end0:
.L_simem_size_0:
called_computation.1_lowered:
.L_overlay_start_0:
0x88: {  	s2 =	sld [smem:$0x3FD9]  }
0x89: {  	s3 =	sld [smem:$0x3FFE];
	_ =	sdelay $0x1  }
0x8a: {  	s1 =	srdreg.scid  }
0x8b: {  	s0 =	sand.u32 $0x1, s1  }
0x8c: {  	s15 =	sshll.u32 s0, $0xA;
	s2 =	sadd.s32 s3, s2  }
0x8d: {  	s2 =	sadd.s32 s2, s15  }
0x8e: {  	[smem:$0x3FC3] =	sst s2  }
0x8f: {  	_ = 	snop  }
0x90: {  	s2 =	sld [smem:$0x3FC8]  }
0x91: {  	s4 =	sld [smem:$0x3FD0]  }
0x92: {  	s16 =	sld [smem:$0x3FC7]  }
0x93: {  	s5 =	sld [smem:$0x3FC6]  }
0x94: {  	s7 =	simm.s32 $0xB;
	s8 =	simm.s32 $0x10;
	s6 =	sld [smem:$0x3FC5]  }
0x95: {  	[smem:s8], [sflag:s7] =	dma.local [hbm:s4], $0x1  }
0x96: {  	_ =	swait.eq [sflag:s7], $0x1  }
0x97: {  	[sflag:s7] =	ssyncset.done $0x0  }
0x98: {  	[sflag:s7] =	ssyncadd.s32 $0xFFFFFFFF  }
0x99: {  	s17 =	sld [smem:$0x12];
	(tm) =	ssettm $0x1  }
0x9a: {  	s18 =	sld [smem:$0x3FFB];
	_ =	sdelay $0x3  }
0x9b: {  	_ =	strace s18  }
0x9c: {  	s4 =	sld [smem:$0x3FFC];
	_ =	sdelay $0x3  }
0x9d: {  	_ =	strace s4  }
0x9e: {  	s4 =	sld [smem:$0x3FFD];
	_ =	sdelay $0x3  }
0x9f: {  	_ =	strace s4  }
0xa0: {  	_ =	strace $0x8FFFFFFF  }
0xa1: {  	s19 =	sld [smem:$0x3FDB];
	_ =	sdelay $0x1  }
0xa2: {  	s20 =	simm.s32 $_scs_section_size  }
0xa3: {  	s9 =	simm.s32 $_size__tile_overlayer_lowered;
	s10 =	simm.s32 $_tile_overlayer_lowered  }
0xa4: {  	s11 =	simm.s32 $0x1BFF;
	s21 =	sshll.u32 s10, $0x1;
	s8 =	sadd.s32 s20, s19  }
0xa5: {  	s22 =	simm.s32 $0x0;
	s9 =	sshll.u32 s9, $0x1;
	s10 =	sadd.s32 s21, s8  }
0xa6: {  	[timem:s22], [sflag:s11] =	dma.local [hbm:s10], s9  }
0xa7: {  	_ =	swait.ge [sflag:s11], s9  }
0xa8: {  	s9 =	ssub.s32 $0x0, s9;
	[sflag:s11] =	ssyncset.done $0x0  }
0xa9: {  	[sflag:s11] =	ssyncadd.s32 s9;
	_ =	sdelay $0x1  }
0xaa: {  	s23 =	simm.s32 $0x1B8B  }
0xab: {  	_ =	swait.ge [sflag:s23], $0x1  }
0xac: {  	[sflag:s23] =	ssyncset.done $0x0  }
0xad: {  	[sflag:s23] =	ssyncadd.s32 $0xFFFFFFFF  }
0xae: {  	s9 =	sld [smem:$0x0]  }
0xaf: {  	s10 =	sand.u32 $0xFFFFFFFE, s1  }
0xb0: {  	p0 =	sne.s32 s1, s10  }
0xb1: {  	s10 =	sshll.u32 @p0 s10, $0xE  }
0xb2: {  	s10 =	sadd.s32 @p0 $0x11B8D, s10;
	s11 =	sshll.u32 @p0 s9, $0x11  }
0xb3: {  	s10 =	sor.u32 @p0 s11, s10  }
0xb4: {  	[sflag:s10] =	ssyncadd.remote.s32 @p0 $0x1;
	_ =	sdelay $0x1  }
0xb5: {  	s10 =	simm.s32 @p0 $0x1B8D  }
0xb6: {  	_ =	swait.eq @p0 [sflag:s10], $0x1  }
0xb7: {  	[sflag:s10] =	ssyncadd.s32 @p0 $0xFFFFFFFF  }
0xb8: {  	s11 =	sshll.u32 @!p0 s1, $0xE  }
0xb9: {  	s11 =	sor.u32 @!p0 $0x4000, s11;
	s10 =	simm.s32 @!p0 $0x1B8D  }
0xba: {  	s9 =	sshll.u32 @!p0 s9, $0x11;
	s11 =	sadd.s32 @!p0 $0x11B8D, s11;
	_ =	swait.eq @!p0 [sflag:s10], $0x1  }
0xbb: {  	s9 =	sor.u32 @!p0 s9, s11;
	[sflag:s10] =	ssyncadd.s32 @!p0 $0xFFFFFFFF  }
0xbc: {  	s25 =	simm.s32 $0x1B8E;
	s24 =	sld [smem:$0x3FFE];
	[sflag:s9] =	ssyncadd.remote.s32 @!p0 $0x1  }
0xbd: {  	s26 =	simm.s32 $execute0_lowered;
	[smem:$0x3FD2] =	sst s25  }
0xbe: {  	s10 =	sshll.u32 s26, $0x1;
	_ =	strace $0x80000049;
	[dreg:$0x1] =	wrdreg $0xFFFFFFFF  }
0xbf: {  	s28 =	simm.s32 $_size_execute0_lowered;
	s8 =	sadd.s32 s8, s10;
	[dreg:$0x0] =	wrdreg $0x0  }
0xc0: {  	s10 =	sshll.u32 s28, $0x1;
	[dreg:$0x2] =	wrdreg s8  }
0xc1: {  	[dreg:$0x3] =	wrdreg s10  }
0xc2: {  	[dreg:$0x4] =	wrdreg $0xC0  }
0xc3: {  	_ =	task [dreg:s22], $0x5FFFF  }
0xc4: {  	[dreg:$0x1] =	wrdreg $0xFFFFFFFF  }
0xc5: {  	[dreg:$0x0] =	wrdreg $0x60  }
0xc6: {  	[dreg:$0x2] =	wrdreg s5  }
0xc7: {  	[dreg:$0x3] =	wrdreg s6  }
0xc8: {  	[dreg:$0x4] =	wrdreg s2  }
0xc9: {  	[dreg:$0x5] =	wrdreg s16  }
0xca: {  	[dreg:$0x6] =	wrdreg s24  }
0xcb: {  	[dreg:$0x7] =	wrdreg s17  }
0xcc: {  	[dreg:$0x8] =	wrdreg $0xA  }
0xcd: {  	_ =	task.clear_ibuf [dreg:s22], $0x9FFFF;
	_ =	strace $0x90000049  }
0xce: {  	s29 =	simm.s32 $0xA;
	_ =	strace $0x8000004B  }
0xcf: {  	_ =	swait.ge [sflag:s29], $0x1  }
0xd0: {  	[sflag:s29] =	ssyncadd.s32 $0xFFFFFFFF  }
0xd1: {  	_ =	strace $0x9000004B  }
0xd2: {  	_ =	sfence  }
0xd3: {  	s30 =	sld [smem:$0x0];
	_ =	sdelay $0x2  }
0xd4: {  	s31 =	sshll.u32 s1, $0xD;
	s1 =	sshrl.u32 s1, $0x2  }
0xd5: {  	s3 =	sand.u32 $0x4000, s31;
	s1 =	sadd.s32 s1, s30  }
0xd6: {  	s0 =	sor.u32 s3, s0;
	s1 =	sshll.u32 s1, $0x11  }
0xd7: {  	s0 =	sor.u32 s1, s0  }
0xd8: {  	s0 =	sadd.s32 $0x8F2B, s0  }
0xd9: {  	[sflag:s0] =	ssyncadd.remote.s32 $0x1  }
0xda: {  	_ =	sfence.sel $0xFFFF  }
0xdb: {  	[dreg:$0x0] =	wrdreg $0xFFFFFFFF;
	(pc) =	sbr.abs _section_cstart, $3  }
0xdc: {  	[dreg:$0x1] =	wrdreg $0xFFFFFFFF  }
0xdd: {  	_ =	task.clear_ibuf [dreg:s22], $0x2FFFF;
	_ =	strace $0x9FFFFFFF  }
0xde: {  	(tm) =	ssettm $0x7FFFFFFF  }
0xdf: {  	_ =	shalt  }
tec
execute0_lowered:
.L_overlay_start_1:
0x0: {  	(tag) =	ssettag $0x1  }
0x1: {  	s28 =	rddreg [dreg:$0x0]  }
0x2: {  	s22 =	rddreg [dreg:$0x1]  }
0x3: {  	s4 =	rddreg [dreg:$0x2]  }
0x4: {  	s0 =	srdreg.scid;
	s3 =	rddreg [dreg:$0x3]  }
0x5: {  	s2 =	stileid.u32;
	s1 =	rddreg [dreg:$0x4]  }
0x6: {  	s6 =	rddreg [dreg:$0x5];
	s31 =	simm.s32 $0x9;
	s30 =	simm.s32 $0x100  }
0x7: {  	s29 =	simm.s32 $0x180;
	p0 =	por $0x0, $0x0;
	s0 =	sand.u32 $0x1, s0  }
0x8: {  	s2 =	sshll.u32 s2, $0xA;
	s9 =	sadd.s32 $0x42200, s1;
	s5 =	sshll.u32 s0, $0x9  }
0x9: {  	s19 =	sadd.s32 $0x82200, s1;
	s0 =	ssub.s32 $0x2, s0;
	s5 =	sor.u32 s5, s2  }
0xa: {  	s2 =	simm.s32 $0x0;
	s24 =	sshrl.u32 s0, $0x1;
	s7 =	sshrl.u32 s5, $0x3  }
0xb: {  	[smem:$0x7FF] =	sst s2;
	s5 =	sshll.u32 s5, $0x4;
	s0 =	ssub.s32 s0, s24  }
0xc: {  	s24 =	simm.s32 $0x200;
	s7 =	sadd.s32 s7, s1;
	s12 =	sadd.s32 s6, s5  }
0xd: {  	_ =	strace $0x8000004A;
	s16 =	sadd.s32 s9, s5;
	[dreg:$0x9] =	wrdreg s12  }
0xe: {  	s13 =	sor.u32 $0x800, s5;
	s21 =	sadd.s32 s19, s5;
	[dreg:$0xd] =	wrdreg s16  }
0xf: {  	s10 =	sor.u32 $0x1000, s5;
	s8 =	sadd.s32 $0x1A00, s7;
	[dreg:$0x11] =	wrdreg s21  }
0x10: {  	s11 =	sor.u32 $0x1800, s5;
	s7 =	sadd.s32 $0x1200, s7;
	[dreg:$0x7] =	wrdreg s8  }
0x11: {  	s1 =	sadd.s32 $0xC2200, s1;
	s14 =	sadd.s32 s6, s13;
	[dreg:$0x8] =	wrdreg s7  }
0x12: {  	s0 =	smax.u32 s0, $0x1;
	s15 =	sadd.s32 s6, s10;
	[dreg:$0xa] =	wrdreg s14  }
0x13: {  	s6 =	sadd.s32 s6, s11;
	s17 =	sadd.s32 s9, s13;
	[dreg:$0xb] =	wrdreg s15  }
0x14: {  	s18 =	sadd.s32 s9, s10;
	s20 =	sadd.s32 s9, s11;
	[dreg:$0xc] =	wrdreg s6  }
0x15: {  	s23 =	sadd.s32 s19, s13;
	s25 =	sadd.s32 s19, s10;
	[dreg:$0xe] =	wrdreg s17  }
0x16: {  	s26 =	sadd.s32 s19, s11;
	s9 =	sadd.s32 s1, s5;
	[dreg:$0xf] =	wrdreg s18  }
0x17: {  	s5 =	sadd.s32 s1, s11;
	s16 =	simm.s32 $0x400;
	[dreg:$0x10] =	wrdreg s20  }
0x18: {  	s12 =	simm.s32 $0xC400;
	s21 =	simm.s32 $0x1;
	[dreg:$0x12] =	wrdreg s23  }
0x19: {  	p1 =	sne.s32 s0, $0x1;
	s19 =	simm.s32 $0x4;
	[dreg:$0x13] =	wrdreg s25  }
0x1a: {  	s11 =	simm.s32 $0x8;
	[dreg:$0x14] =	wrdreg s26;
	s7 =	sadd.s32 s1, s13  }
.Ltmp0:
0x1b: {  	s6 =	sadd.s32 s1, s10;
	s17 =	simm.s32 $0x80;
	(pc) =	sbr.rel @!p1 .LBB2_3-.Ltmp0, $4  }
0x1c: {  	s15 =	simm.s32 $0x4400;
	s14 =	simm.s32 $0x8400;
	s10 =	simm.s32 $0x5  }
0x1d: {  	s20 =	simm.s32 $0x2;
	s8 =	simm.s32 $0x6;
	s18 =	simm.s32 $0x3  }
0x1e: {  	s1 =	sadd.s32 $0xFFFFFFFF, s0;
	s13 =	simm.s32 $0x7;
	s26 =	simm.s32 $0x280  }
0x1f: {  	s25 =	simm.s32 $0x300;
	s23 =	simm.s32 $0x380;
	s0 =	rddreg [dreg:$0x7]  }
0x20: {  	[tilespmem:s2], [sflag:$0x9] =	stream.linear.gather [hbm4b:s0+s2], $0x200, $0x38;
	[tilespmem:$0x10400] =	vst v63  }
0x21: {  	_ =	swait.ge [sflag:s31], $0x200  }
0x22: {  	[sflag:s31] =	ssyncset.done $0x0  }
0x23: {  	s0 =	rddreg [dreg:$0x8];
	[sflag:s31] =	ssyncadd.s32 $0xFFFFFE00  }
0x24: {  	[tilespmem:s24], [sflag:$0x9] =	stream.linear.gather [hbm4b:s0+s2], $0x200, $0x38;
	[tilespmem:$0x10400] =	vst v63  }
0x25: {  	_ =	swait.ge [sflag:s31], $0x200  }
0x26: {  	[sflag:s31] =	ssyncset.done $0x0  }
0x27: {  	[sflag:s31] =	ssyncadd.s32 $0xFFFFFE00  }
0x28: {  	[tilespmem:s16], [sflag:$0x1] =	stream.indirect.gather [hbm4b:s28+s17], $0x80, s2, s17, $0xb8;
	[tilespmem:$0x10400] =	vst v63  }
0x29: {  	_ = 	snop  }
0x2a: {  	[tilespmem:s15], [sflag:$0x2] =	stream.indirect.gather [hbm4b:s28+s17], $0x80, s17, s17, $0xb8;
	[tilespmem:$0x10400] =	vst v63  }
0x2b: {  	_ = 	snop  }
0x2c: {  	[tilespmem:s14], [sflag:$0x3] =	stream.indirect.gather [hbm4b:s28+s17], $0x80, s30, s17, $0xb8;
	[tilespmem:$0x10400] =	vst v63  }
0x2d: {  	_ = 	snop  }
0x2e: {  	[tilespmem:s12], [sflag:$0x4] =	stream.indirect.gather [hbm4b:s28+s17], $0x80, s29, s17, $0xb8;
	[tilespmem:$0x10400] =	vst v63  }
0x2f: {  	_ =	swait.ge [sflag:s21], $0x4000  }
0x30: {  	[sflag:s21] =	ssyncset.done $0x0  }
0x31: {  	s0 =	rddreg [dreg:$0x9];
	[sflag:s21] =	ssyncadd.s32 $0xFFFFC000  }
0x32: {  	[hbm4b:s0+s2] =	stream.linear.scatter [tilespmem:s16], [sflag:$0x5], $0x4000, $0x38;
	[tilespmem:$0x10400] =	vst v63  }
0x33: {  	_ =	swait.ge [sflag:s10], $0x4000  }
0x34: {  	[sflag:s10] =	ssyncset.done $0x0  }
0x35: {  	[sflag:s10] =	ssyncadd.s32 $0xFFFFC000  }
0x36: {  	[tilespmem:s16], [sflag:$0x1] =	stream.indirect.gather [hbm4b:s22+s17], $0x80, s2, s17, $0xb8;
	[tilespmem:$0x10400] =	vst v63  }
0x37: {  	_ =	swait.ge [sflag:s20], $0x4000  }
0x38: {  	[sflag:s20] =	ssyncset.done $0x0  }
0x39: {  	s0 =	rddreg [dreg:$0xa];
	[sflag:s20] =	ssyncadd.s32 $0xFFFFC000  }
0x3a: {  	[hbm4b:s0+s2] =	stream.linear.scatter [tilespmem:s15], [sflag:$0x6], $0x4000, $0x38;
	[tilespmem:$0x10400] =	vst v63  }
0x3b: {  	_ =	swait.ge [sflag:s8], $0x4000  }
0x3c: {  	[sflag:s8] =	ssyncset.done $0x0  }
0x3d: {  	[sflag:s8] =	ssyncadd.s32 $0xFFFFC000  }
0x3e: {  	[tilespmem:s15], [sflag:$0x2] =	stream.indirect.gather [hbm4b:s22+s17], $0x80, s17, s17, $0xb8;
	[tilespmem:$0x10400] =	vst v63  }
0x3f: {  	_ =	swait.ge [sflag:s18], $0x4000  }
0x40: {  	[sflag:s18] =	ssyncset.done $0x0  }
0x41: {  	s0 =	rddreg [dreg:$0xb];
	[sflag:s18] =	ssyncadd.s32 $0xFFFFC000  }
0x42: {  	[hbm4b:s0+s2] =	stream.linear.scatter [tilespmem:s14], [sflag:$0x7], $0x4000, $0x38;
	[tilespmem:$0x10400] =	vst v63  }
0x43: {  	_ =	swait.ge [sflag:s13], $0x4000  }
0x44: {  	[sflag:s13] =	ssyncset.done $0x0  }
0x45: {  	[sflag:s13] =	ssyncadd.s32 $0xFFFFC000  }
0x46: {  	[tilespmem:s14], [sflag:$0x3] =	stream.indirect.gather [hbm4b:s22+s17], $0x80, s30, s17, $0xb8;
	[tilespmem:$0x10400] =	vst v63  }
0x47: {  	_ =	swait.ge [sflag:s19], $0x4000  }
0x48: {  	[sflag:s19] =	ssyncset.done $0x0  }
0x49: {  	s0 =	rddreg [dreg:$0xc];
	[sflag:s19] =	ssyncadd.s32 $0xFFFFC000  }
0x4a: {  	[hbm4b:s0+s2] =	stream.linear.scatter [tilespmem:s12], [sflag:$0x8], $0x4000, $0x38;
	[tilespmem:$0x10400] =	vst v63  }
0x4b: {  	_ =	swait.ge [sflag:s11], $0x4000  }
0x4c: {  	[sflag:s11] =	ssyncset.done $0x0  }
0x4d: {  	[sflag:s11] =	ssyncadd.s32 $0xFFFFC000  }
0x4e: {  	[tilespmem:s12], [sflag:$0x4] =	stream.indirect.gather [hbm4b:s22+s17], $0x80, s29, s17, $0xb8;
	[tilespmem:$0x10400] =	vst v63  }
0x4f: {  	_ =	swait.ge [sflag:s21], $0x4000  }
0x50: {  	[sflag:s21] =	ssyncset.done $0x0  }
0x51: {  	s0 =	rddreg [dreg:$0xd];
	[sflag:s21] =	ssyncadd.s32 $0xFFFFC000  }
0x52: {  	[hbm4b:s0+s2] =	stream.linear.scatter [tilespmem:s16], [sflag:$0x5], $0x4000, $0x38;
	[tilespmem:$0x10400] =	vst v63  }
0x53: {  	_ =	swait.ge [sflag:s10], $0x4000  }
0x54: {  	[sflag:s10] =	ssyncset.done $0x0  }
0x55: {  	[sflag:s10] =	ssyncadd.s32 $0xFFFFC000  }
0x56: {  	[tilespmem:s16], [sflag:$0x1] =	stream.indirect.gather [hbm4b:s4+s17], $0x80, s24, s17, $0xb8;
	[tilespmem:$0x10400] =	vst v63  }
0x57: {  	_ =	swait.ge [sflag:s20], $0x4000  }
0x58: {  	[sflag:s20] =	ssyncset.done $0x0  }
0x59: {  	s0 =	rddreg [dreg:$0xe];
	[sflag:s20] =	ssyncadd.s32 $0xFFFFC000  }
0x5a: {  	[hbm4b:s0+s2] =	stream.linear.scatter [tilespmem:s15], [sflag:$0x6], $0x4000, $0x38;
	[tilespmem:$0x10400] =	vst v63  }
0x5b: {  	_ =	swait.ge [sflag:s8], $0x4000  }
0x5c: {  	[sflag:s8] =	ssyncset.done $0x0  }
0x5d: {  	[sflag:s8] =	ssyncadd.s32 $0xFFFFC000  }
0x5e: {  	[tilespmem:s15], [sflag:$0x2] =	stream.indirect.gather [hbm4b:s4+s17], $0x80, s26, s17, $0xb8;
	[tilespmem:$0x10400] =	vst v63  }
0x5f: {  	_ =	swait.ge [sflag:s18], $0x4000  }
0x60: {  	[sflag:s18] =	ssyncset.done $0x0  }
0x61: {  	s0 =	rddreg [dreg:$0xf];
	[sflag:s18] =	ssyncadd.s32 $0xFFFFC000  }
0x62: {  	[hbm4b:s0+s2] =	stream.linear.scatter [tilespmem:s14], [sflag:$0x7], $0x4000, $0x38;
	[tilespmem:$0x10400] =	vst v63  }
0x63: {  	_ =	swait.ge [sflag:s13], $0x4000  }
0x64: {  	[sflag:s13] =	ssyncset.done $0x0  }
0x65: {  	[sflag:s13] =	ssyncadd.s32 $0xFFFFC000  }
0x66: {  	[tilespmem:s14], [sflag:$0x3] =	stream.indirect.gather [hbm4b:s4+s17], $0x80, s25, s17, $0xb8;
	[tilespmem:$0x10400] =	vst v63  }
0x67: {  	_ =	swait.ge [sflag:s19], $0x4000  }
0x68: {  	[sflag:s19] =	ssyncset.done $0x0  }
0x69: {  	s0 =	rddreg [dreg:$0x10];
	[sflag:s19] =	ssyncadd.s32 $0xFFFFC000  }
0x6a: {  	[hbm4b:s0+s2] =	stream.linear.scatter [tilespmem:s12], [sflag:$0x8], $0x4000, $0x38;
	[tilespmem:$0x10400] =	vst v63  }
0x6b: {  	_ =	swait.ge [sflag:s11], $0x4000  }
0x6c: {  	[sflag:s11] =	ssyncset.done $0x0  }
0x6d: {  	[sflag:s11] =	ssyncadd.s32 $0xFFFFC000  }
0x6e: {  	[tilespmem:s12], [sflag:$0x4] =	stream.indirect.gather [hbm4b:s4+s17], $0x80, s23, s17, $0xb8;
	[tilespmem:$0x10400] =	vst v63  }
0x6f: {  	_ =	swait.ge [sflag:s21], $0x4000  }
0x70: {  	[sflag:s21] =	ssyncset.done $0x0  }
0x71: {  	s0 =	rddreg [dreg:$0x11];
	[sflag:s21] =	ssyncadd.s32 $0xFFFFC000  }
0x72: {  	[hbm4b:s0+s2] =	stream.linear.scatter [tilespmem:s16], [sflag:$0x5], $0x4000, $0x38;
	[tilespmem:$0x10400] =	vst v63  }
0x73: {  	_ =	swait.ge [sflag:s10], $0x4000  }
0x74: {  	[sflag:s10] =	ssyncset.done $0x0  }
0x75: {  	[sflag:s10] =	ssyncadd.s32 $0xFFFFC000  }
0x76: {  	[tilespmem:s16], [sflag:$0x1] =	stream.indirect.gather [hbm4b:s3+s17], $0x80, s24, s17, $0xb8;
	[tilespmem:$0x10400] =	vst v63  }
0x77: {  	_ =	swait.ge [sflag:s20], $0x4000  }
0x78: {  	[sflag:s20] =	ssyncset.done $0x0  }
0x79: {  	s0 =	rddreg [dreg:$0x12];
	[sflag:s20] =	ssyncadd.s32 $0xFFFFC000  }
0x7a: {  	[hbm4b:s0+s2] =	stream.linear.scatter [tilespmem:s15], [sflag:$0x6], $0x4000, $0x38;
	[tilespmem:$0x10400] =	vst v63  }
0x7b: {  	_ =	swait.ge [sflag:s8], $0x4000  }
0x7c: {  	[sflag:s8] =	ssyncset.done $0x0  }
0x7d: {  	[sflag:s8] =	ssyncadd.s32 $0xFFFFC000  }
0x7e: {  	[tilespmem:s15], [sflag:$0x2] =	stream.indirect.gather [hbm4b:s3+s17], $0x80, s26, s17, $0xb8;
	[tilespmem:$0x10400] =	vst v63  }
0x7f: {  	_ =	swait.ge [sflag:s18], $0x4000  }
0x80: {  	[sflag:s18] =	ssyncset.done $0x0  }
0x81: {  	s0 =	rddreg [dreg:$0x13];
	[sflag:s18] =	ssyncadd.s32 $0xFFFFC000  }
0x82: {  	[hbm4b:s0+s2] =	stream.linear.scatter [tilespmem:s14], [sflag:$0x7], $0x4000, $0x38;
	[tilespmem:$0x10400] =	vst v63  }
0x83: {  	_ =	swait.ge [sflag:s13], $0x4000  }
0x84: {  	[sflag:s13] =	ssyncset.done $0x0  }
0x85: {  	[sflag:s13] =	ssyncadd.s32 $0xFFFFC000  }
0x86: {  	[tilespmem:s14], [sflag:$0x3] =	stream.indirect.gather [hbm4b:s3+s17], $0x80, s25, s17, $0xb8;
	[tilespmem:$0x10400] =	vst v63  }
0x87: {  	_ =	swait.ge [sflag:s19], $0x4000  }
0x88: {  	[sflag:s19] =	ssyncset.done $0x0  }
0x89: {  	s0 =	rddreg [dreg:$0x14];
	[sflag:s19] =	ssyncadd.s32 $0xFFFFC000  }
0x8a: {  	[hbm4b:s0+s2] =	stream.linear.scatter [tilespmem:s12], [sflag:$0x8], $0x4000, $0x38;
	[tilespmem:$0x10400] =	vst v63  }
0x8b: {  	_ =	swait.ge [sflag:s11], $0x4000  }
0x8c: {  	[sflag:s11] =	ssyncset.done $0x0  }
0x8d: {  	[sflag:s11] =	ssyncadd.s32 $0xFFFFC000  }
0x8e: {  	[tilespmem:s12], [sflag:$0x4] =	stream.indirect.gather [hbm4b:s3+s17], $0x80, s23, s17, $0xb8;
	[tilespmem:$0x10400] =	vst v63  }
0x8f: {  	_ =	swait.ge [sflag:s21], $0x4000  }
0x90: {  	[sflag:s21] =	ssyncset.done $0x0  }
0x91: {  	[sflag:s21] =	ssyncadd.s32 $0xFFFFC000  }
0x92: {  	[hbm4b:s9+s2] =	stream.linear.scatter [tilespmem:s16], [sflag:$0x5], $0x4000, $0x38;
	[tilespmem:$0x10400] =	vst v63  }
0x93: {  	_ =	swait.ge [sflag:s20], $0x4000  }
0x94: {  	[sflag:s20] =	ssyncset.done $0x0  }
0x95: {  	[sflag:s20] =	ssyncadd.s32 $0xFFFFC000  }
0x96: {  	[hbm4b:s7+s2] =	stream.linear.scatter [tilespmem:s15], [sflag:$0x6], $0x4000, $0x38;
	[tilespmem:$0x10400] =	vst v63  }
0x97: {  	_ =	swait.ge [sflag:s18], $0x4000  }
0x98: {  	[sflag:s18] =	ssyncset.done $0x0  }
0x99: {  	[sflag:s18] =	ssyncadd.s32 $0xFFFFC000  }
0x9a: {  	[hbm4b:s6+s2] =	stream.linear.scatter [tilespmem:s14], [sflag:$0x7], $0x4000, $0x38;
	[tilespmem:$0x10400] =	vst v63  }
0x9b: {  	_ =	swait.ge [sflag:s19], $0x4000  }
0x9c: {  	[sflag:s19] =	ssyncset.done $0x0  }
0x9d: {  	[sflag:s19] =	ssyncadd.s32 $0xFFFFC000  }
0x9e: {  	[hbm4b:s5+s2] =	stream.linear.scatter [tilespmem:s12], [sflag:$0x8], $0x4000, $0x38;
	[tilespmem:$0x10400] =	vst v63  }
0x9f: {  	_ =	swait.ge [sflag:s10], $0x4000  }
0xa0: {  	[sflag:s10] =	ssyncset.done $0x0  }
0xa1: {  	[sflag:s10] =	ssyncadd.s32 $0xFFFFC000  }
0xa2: {  	_ =	swait.ge [sflag:s8], $0x4000  }
0xa3: {  	[sflag:s8] =	ssyncset.done $0x0  }
0xa4: {  	p1 =	sne.s32 s1, $0x1;
	[sflag:s8] =	ssyncadd.s32 $0xFFFFC000  }
.Ltmp1:
0xa5: {  	_ =	swait.ge [sflag:s13], $0x4000;
	(pc) =	sbr.rel @!p1 .LBB2_3-.Ltmp1, $4  }
0xa6: {  	[sflag:s13] =	ssyncset.done $0x0  }
0xa7: {  	[sflag:s13] =	ssyncadd.s32 $0xFFFFC000  }
0xa8: {  	s1 =	sadd.s32 $0xFFFFFFFF, s1;
	_ =	swait.ge [sflag:s11], $0x4000  }
0xa9: {  	p0 =	por $0x1, $0x1;
	s0 =	rddreg [dreg:$0x7];
	[sflag:s11] =	ssyncset.done $0x0  }
.LBB2_2:
0xaa: {  	[sflag:s11] =	ssyncadd.s32 $0xFFFFC000  }
0xab: {  	[tilespmem:s2], [sflag:$0x9] =	stream.linear.gather [hbm4b:s0+s2], $0x200, $0x38;
	[tilespmem:$0x10400] =	vst v63  }
0xac: {  	_ =	swait.ge [sflag:s31], $0x200  }
0xad: {  	[sflag:s31] =	ssyncset.done $0x0  }
0xae: {  	s0 =	rddreg [dreg:$0x8];
	[sflag:s31] =	ssyncadd.s32 $0xFFFFFE00  }
0xaf: {  	[tilespmem:s24], [sflag:$0x9] =	stream.linear.gather [hbm4b:s0+s2], $0x200, $0x38;
	[tilespmem:$0x10400] =	vst v63  }
0xb0: {  	_ =	swait.ge [sflag:s31], $0x200  }
0xb1: {  	[sflag:s31] =	ssyncset.done $0x0  }
0xb2: {  	[sflag:s31] =	ssyncadd.s32 $0xFFFFFE00  }
0xb3: {  	[tilespmem:s16], [sflag:$0x1] =	stream.indirect.gather [hbm4b:s28+s17], $0x80, s2, s17, $0xb8;
	[tilespmem:$0x10400] =	vst v63  }
0xb4: {  	_ = 	snop  }
0xb5: {  	[tilespmem:s15], [sflag:$0x2] =	stream.indirect.gather [hbm4b:s28+s17], $0x80, s17, s17, $0xb8;
	[tilespmem:$0x10400] =	vst v63  }
0xb6: {  	_ = 	snop  }
0xb7: {  	[tilespmem:s14], [sflag:$0x3] =	stream.indirect.gather [hbm4b:s28+s17], $0x80, s30, s17, $0xb8;
	[tilespmem:$0x10400] =	vst v63  }
0xb8: {  	_ = 	snop  }
0xb9: {  	[tilespmem:s12], [sflag:$0x4] =	stream.indirect.gather [hbm4b:s28+s17], $0x80, s29, s17, $0xb8;
	[tilespmem:$0x10400] =	vst v63  }
0xba: {  	_ =	swait.ge [sflag:s21], $0x4000  }
0xbb: {  	[sflag:s21] =	ssyncset.done $0x0  }
0xbc: {  	s0 =	rddreg [dreg:$0x9];
	[sflag:s21] =	ssyncadd.s32 $0xFFFFC000  }
0xbd: {  	[hbm4b:s0+s2] =	stream.linear.scatter [tilespmem:s16], [sflag:$0x5], $0x4000, $0x38;
	[tilespmem:$0x10400] =	vst v63  }
0xbe: {  	_ =	swait.ge [sflag:s10], $0x4000  }
0xbf: {  	[sflag:s10] =	ssyncset.done $0x0  }
0xc0: {  	[sflag:s10] =	ssyncadd.s32 $0xFFFFC000  }
0xc1: {  	[tilespmem:s16], [sflag:$0x1] =	stream.indirect.gather [hbm4b:s22+s17], $0x80, s2, s17, $0xb8;
	[tilespmem:$0x10400] =	vst v63  }
0xc2: {  	_ =	swait.ge [sflag:s20], $0x4000  }
0xc3: {  	[sflag:s20] =	ssyncset.done $0x0  }
0xc4: {  	s0 =	rddreg [dreg:$0xa];
	[sflag:s20] =	ssyncadd.s32 $0xFFFFC000  }
0xc5: {  	[hbm4b:s0+s2] =	stream.linear.scatter [tilespmem:s15], [sflag:$0x6], $0x4000, $0x38;
	[tilespmem:$0x10400] =	vst v63  }
0xc6: {  	_ =	swait.ge [sflag:s8], $0x4000  }
0xc7: {  	[sflag:s8] =	ssyncset.done $0x0  }
0xc8: {  	[sflag:s8] =	ssyncadd.s32 $0xFFFFC000  }
0xc9: {  	[tilespmem:s15], [sflag:$0x2] =	stream.indirect.gather [hbm4b:s22+s17], $0x80, s17, s17, $0xb8;
	[tilespmem:$0x10400] =	vst v63  }
0xca: {  	_ =	swait.ge [sflag:s18], $0x4000  }
0xcb: {  	[sflag:s18] =	ssyncset.done $0x0  }
0xcc: {  	s0 =	rddreg [dreg:$0xb];
	[sflag:s18] =	ssyncadd.s32 $0xFFFFC000  }
0xcd: {  	[hbm4b:s0+s2] =	stream.linear.scatter [tilespmem:s14], [sflag:$0x7], $0x4000, $0x38;
	[tilespmem:$0x10400] =	vst v63  }
0xce: {  	_ =	swait.ge [sflag:s13], $0x4000  }
0xcf: {  	[sflag:s13] =	ssyncset.done $0x0  }
0xd0: {  	[sflag:s13] =	ssyncadd.s32 $0xFFFFC000  }
0xd1: {  	[tilespmem:s14], [sflag:$0x3] =	stream.indirect.gather [hbm4b:s22+s17], $0x80, s30, s17, $0xb8;
	[tilespmem:$0x10400] =	vst v63  }
0xd2: {  	_ =	swait.ge [sflag:s19], $0x4000  }
0xd3: {  	[sflag:s19] =	ssyncset.done $0x0  }
0xd4: {  	s0 =	rddreg [dreg:$0xc];
	[sflag:s19] =	ssyncadd.s32 $0xFFFFC000  }
0xd5: {  	[hbm4b:s0+s2] =	stream.linear.scatter [tilespmem:s12], [sflag:$0x8], $0x4000, $0x38;
	[tilespmem:$0x10400] =	vst v63  }
0xd6: {  	_ =	swait.ge [sflag:s11], $0x4000  }
0xd7: {  	[sflag:s11] =	ssyncset.done $0x0  }
0xd8: {  	[sflag:s11] =	ssyncadd.s32 $0xFFFFC000  }
0xd9: {  	[tilespmem:s12], [sflag:$0x4] =	stream.indirect.gather [hbm4b:s22+s17], $0x80, s29, s17, $0xb8;
	[tilespmem:$0x10400] =	vst v63  }
0xda: {  	_ =	swait.ge [sflag:s21], $0x4000  }
0xdb: {  	[sflag:s21] =	ssyncset.done $0x0  }
0xdc: {  	s0 =	rddreg [dreg:$0xd];
	[sflag:s21] =	ssyncadd.s32 $0xFFFFC000  }
0xdd: {  	[hbm4b:s0+s2] =	stream.linear.scatter [tilespmem:s16], [sflag:$0x5], $0x4000, $0x38;
	[tilespmem:$0x10400] =	vst v63  }
0xde: {  	_ =	swait.ge [sflag:s10], $0x4000  }
0xdf: {  	[sflag:s10] =	ssyncset.done $0x0  }
0xe0: {  	[sflag:s10] =	ssyncadd.s32 $0xFFFFC000  }
0xe1: {  	[tilespmem:s16], [sflag:$0x1] =	stream.indirect.gather [hbm4b:s4+s17], $0x80, s24, s17, $0xb8;
	[tilespmem:$0x10400] =	vst v63  }
0xe2: {  	_ =	swait.ge [sflag:s20], $0x4000  }
0xe3: {  	[sflag:s20] =	ssyncset.done $0x0  }
0xe4: {  	s0 =	rddreg [dreg:$0xe];
	[sflag:s20] =	ssyncadd.s32 $0xFFFFC000  }
0xe5: {  	[hbm4b:s0+s2] =	stream.linear.scatter [tilespmem:s15], [sflag:$0x6], $0x4000, $0x38;
	[tilespmem:$0x10400] =	vst v63  }
0xe6: {  	_ =	swait.ge [sflag:s8], $0x4000  }
0xe7: {  	[sflag:s8] =	ssyncset.done $0x0  }
0xe8: {  	[sflag:s8] =	ssyncadd.s32 $0xFFFFC000  }
0xe9: {  	[tilespmem:s15], [sflag:$0x2] =	stream.indirect.gather [hbm4b:s4+s17], $0x80, s26, s17, $0xb8;
	[tilespmem:$0x10400] =	vst v63  }
0xea: {  	_ =	swait.ge [sflag:s18], $0x4000  }
0xeb: {  	[sflag:s18] =	ssyncset.done $0x0  }
0xec: {  	s0 =	rddreg [dreg:$0xf];
	[sflag:s18] =	ssyncadd.s32 $0xFFFFC000  }
0xed: {  	[hbm4b:s0+s2] =	stream.linear.scatter [tilespmem:s14], [sflag:$0x7], $0x4000, $0x38;
	[tilespmem:$0x10400] =	vst v63  }
0xee: {  	_ =	swait.ge [sflag:s13], $0x4000  }
0xef: {  	[sflag:s13] =	ssyncset.done $0x0  }
0xf0: {  	[sflag:s13] =	ssyncadd.s32 $0xFFFFC000  }
0xf1: {  	[tilespmem:s14], [sflag:$0x3] =	stream.indirect.gather [hbm4b:s4+s17], $0x80, s25, s17, $0xb8;
	[tilespmem:$0x10400] =	vst v63  }
0xf2: {  	_ =	swait.ge [sflag:s19], $0x4000  }
0xf3: {  	[sflag:s19] =	ssyncset.done $0x0  }
0xf4: {  	s0 =	rddreg [dreg:$0x10];
	[sflag:s19] =	ssyncadd.s32 $0xFFFFC000  }
0xf5: {  	[hbm4b:s0+s2] =	stream.linear.scatter [tilespmem:s12], [sflag:$0x8], $0x4000, $0x38;
	[tilespmem:$0x10400] =	vst v63  }
0xf6: {  	_ =	swait.ge [sflag:s11], $0x4000  }
0xf7: {  	[sflag:s11] =	ssyncset.done $0x0  }
0xf8: {  	[sflag:s11] =	ssyncadd.s32 $0xFFFFC000  }
0xf9: {  	[tilespmem:s12], [sflag:$0x4] =	stream.indirect.gather [hbm4b:s4+s17], $0x80, s23, s17, $0xb8;
	[tilespmem:$0x10400] =	vst v63  }
0xfa: {  	_ =	swait.ge [sflag:s21], $0x4000  }
0xfb: {  	[sflag:s21] =	ssyncset.done $0x0  }
0xfc: {  	s0 =	rddreg [dreg:$0x11];
	[sflag:s21] =	ssyncadd.s32 $0xFFFFC000  }
0xfd: {  	[hbm4b:s0+s2] =	stream.linear.scatter [tilespmem:s16], [sflag:$0x5], $0x4000, $0x38;
	[tilespmem:$0x10400] =	vst v63  }
0xfe: {  	_ =	swait.ge [sflag:s10], $0x4000  }
0xff: {  	[sflag:s10] =	ssyncset.done $0x0  }
0x100: {  	[sflag:s10] =	ssyncadd.s32 $0xFFFFC000  }
0x101: {  	[tilespmem:s16], [sflag:$0x1] =	stream.indirect.gather [hbm4b:s3+s17], $0x80, s24, s17, $0xb8;
	[tilespmem:$0x10400] =	vst v63  }
0x102: {  	_ =	swait.ge [sflag:s20], $0x4000  }
0x103: {  	[sflag:s20] =	ssyncset.done $0x0  }
0x104: {  	s0 =	rddreg [dreg:$0x12];
	[sflag:s20] =	ssyncadd.s32 $0xFFFFC000  }
0x105: {  	[hbm4b:s0+s2] =	stream.linear.scatter [tilespmem:s15], [sflag:$0x6], $0x4000, $0x38;
	[tilespmem:$0x10400] =	vst v63  }
0x106: {  	_ =	swait.ge [sflag:s8], $0x4000  }
0x107: {  	[sflag:s8] =	ssyncset.done $0x0  }
0x108: {  	[sflag:s8] =	ssyncadd.s32 $0xFFFFC000  }
0x109: {  	[tilespmem:s15], [sflag:$0x2] =	stream.indirect.gather [hbm4b:s3+s17], $0x80, s26, s17, $0xb8;
	[tilespmem:$0x10400] =	vst v63  }
0x10a: {  	_ =	swait.ge [sflag:s18], $0x4000  }
0x10b: {  	[sflag:s18] =	ssyncset.done $0x0  }
0x10c: {  	s0 =	rddreg [dreg:$0x13];
	[sflag:s18] =	ssyncadd.s32 $0xFFFFC000  }
0x10d: {  	[hbm4b:s0+s2] =	stream.linear.scatter [tilespmem:s14], [sflag:$0x7], $0x4000, $0x38;
	[tilespmem:$0x10400] =	vst v63  }
0x10e: {  	_ =	swait.ge [sflag:s13], $0x4000  }
0x10f: {  	[sflag:s13] =	ssyncset.done $0x0  }
0x110: {  	[sflag:s13] =	ssyncadd.s32 $0xFFFFC000  }
0x111: {  	[tilespmem:s14], [sflag:$0x3] =	stream.indirect.gather [hbm4b:s3+s17], $0x80, s25, s17, $0xb8;
	[tilespmem:$0x10400] =	vst v63  }
0x112: {  	_ =	swait.ge [sflag:s19], $0x4000  }
0x113: {  	[sflag:s19] =	ssyncset.done $0x0  }
0x114: {  	s0 =	rddreg [dreg:$0x14];
	[sflag:s19] =	ssyncadd.s32 $0xFFFFC000  }
0x115: {  	[hbm4b:s0+s2] =	stream.linear.scatter [tilespmem:s12], [sflag:$0x8], $0x4000, $0x38;
	[tilespmem:$0x10400] =	vst v63  }
0x116: {  	_ =	swait.ge [sflag:s11], $0x4000  }
0x117: {  	[sflag:s11] =	ssyncset.done $0x0  }
0x118: {  	[sflag:s11] =	ssyncadd.s32 $0xFFFFC000  }
0x119: {  	[tilespmem:s12], [sflag:$0x4] =	stream.indirect.gather [hbm4b:s3+s17], $0x80, s23, s17, $0xb8;
	[tilespmem:$0x10400] =	vst v63  }
0x11a: {  	_ =	swait.ge [sflag:s21], $0x4000  }
0x11b: {  	[sflag:s21] =	ssyncset.done $0x0  }
0x11c: {  	[sflag:s21] =	ssyncadd.s32 $0xFFFFC000  }
0x11d: {  	[hbm4b:s9+s2] =	stream.linear.scatter [tilespmem:s16], [sflag:$0x5], $0x4000, $0x38;
	[tilespmem:$0x10400] =	vst v63  }
0x11e: {  	_ =	swait.ge [sflag:s20], $0x4000  }
0x11f: {  	[sflag:s20] =	ssyncset.done $0x0  }
0x120: {  	[sflag:s20] =	ssyncadd.s32 $0xFFFFC000  }
0x121: {  	[hbm4b:s7+s2] =	stream.linear.scatter [tilespmem:s15], [sflag:$0x6], $0x4000, $0x38;
	[tilespmem:$0x10400] =	vst v63  }
0x122: {  	_ =	swait.ge [sflag:s18], $0x4000  }
0x123: {  	[sflag:s18] =	ssyncset.done $0x0  }
0x124: {  	[sflag:s18] =	ssyncadd.s32 $0xFFFFC000  }
0x125: {  	[hbm4b:s6+s2] =	stream.linear.scatter [tilespmem:s14], [sflag:$0x7], $0x4000, $0x38;
	[tilespmem:$0x10400] =	vst v63  }
0x126: {  	_ =	swait.ge [sflag:s19], $0x4000  }
0x127: {  	[sflag:s19] =	ssyncset.done $0x0  }
0x128: {  	[sflag:s19] =	ssyncadd.s32 $0xFFFFC000  }
0x129: {  	[hbm4b:s5+s2] =	stream.linear.scatter [tilespmem:s12], [sflag:$0x8], $0x4000, $0x38;
	[tilespmem:$0x10400] =	vst v63  }
0x12a: {  	_ =	swait.ge [sflag:s10], $0x4000  }
0x12b: {  	[sflag:s10] =	ssyncset.done $0x0  }
0x12c: {  	[sflag:s10] =	ssyncadd.s32 $0xFFFFC000  }
0x12d: {  	_ =	swait.ge [sflag:s8], $0x4000  }
0x12e: {  	[sflag:s8] =	ssyncset.done $0x0  }
0x12f: {  	p1 =	sne.s32 s1, $0x1;
	[sflag:s8] =	ssyncadd.s32 $0xFFFFC000  }
.Ltmp2:
0x130: {  	_ =	swait.ge [sflag:s13], $0x4000;
	(pc) =	sbr.rel @p1 .LBB2_2-.Ltmp2, $4  }
0x131: {  	[sflag:s13] =	ssyncset.done $0x0  }
0x132: {  	[sflag:s13] =	ssyncadd.s32 $0xFFFFC000  }
0x133: {  	_ =	swait.ge [sflag:s11], $0x4000  }
0x134: {  	s1 =	sadd.s32 $0xFFFFFFFF, s1;
	s0 =	rddreg [dreg:$0x7];
	[sflag:s11] =	ssyncset.done $0x0  }
.LBB2_3:
0x135: {  	[sflag:s11] =	ssyncadd.s32 @p0 $0xFFFFC000  }
0x136: {  	[tilespmem:s2], [sflag:$0x9] =	stream.linear.gather [hbm4b:s0+s2], $0x200, $0x38;
	[tilespmem:$0x10400] =	vst v63  }
0x137: {  	_ =	swait.ge [sflag:s31], $0x200  }
0x138: {  	[sflag:s31] =	ssyncset.done $0x0  }
0x139: {  	s1 =	rddreg [dreg:$0x8];
	[sflag:s31] =	ssyncadd.s32 $0xFFFFFE00  }
0x13a: {  	[tilespmem:s24], [sflag:$0x9] =	stream.linear.gather [hbm4b:s1+s2], $0x200, $0x38;
	[tilespmem:$0x10400] =	vst v63  }
0x13b: {  	_ =	swait.ge [sflag:s31], $0x200  }
0x13c: {  	[sflag:s31] =	ssyncset.done $0x0  }
0x13d: {  	[sflag:s31] =	ssyncadd.s32 $0xFFFFFE00  }
0x13e: {  	[tilespmem:s16], [sflag:$0x1] =	stream.indirect.gather [hbm4b:s28+s17], $0x80, s2, s17, $0xb8;
	[tilespmem:$0x10400] =	vst v63  }
0x13f: {  	_ = 	snop  }
0x140: {  	[tilespmem:s15], [sflag:$0x2] =	stream.indirect.gather [hbm4b:s28+s17], $0x80, s17, s17, $0xb8;
	[tilespmem:$0x10400] =	vst v63  }
0x141: {  	_ = 	snop  }
0x142: {  	[tilespmem:s14], [sflag:$0x3] =	stream.indirect.gather [hbm4b:s28+s17], $0x80, s30, s17, $0xb8;
	[tilespmem:$0x10400] =	vst v63  }
0x143: {  	_ = 	snop  }
0x144: {  	[tilespmem:s12], [sflag:$0x4] =	stream.indirect.gather [hbm4b:s28+s17], $0x80, s29, s17, $0xb8;
	[tilespmem:$0x10400] =	vst v63  }
0x145: {  	_ =	swait.ge [sflag:s21], $0x4000  }
0x146: {  	[sflag:s21] =	ssyncset.done $0x0  }
0x147: {  	s28 =	rddreg [dreg:$0x9];
	[sflag:s21] =	ssyncadd.s32 $0xFFFFC000  }
0x148: {  	[hbm4b:s28+s2] =	stream.linear.scatter [tilespmem:s16], [sflag:$0x5], $0x4000, $0x38;
	[tilespmem:$0x10400] =	vst v63  }
0x149: {  	_ =	swait.ge [sflag:s10], $0x4000  }
0x14a: {  	[sflag:s10] =	ssyncset.done $0x0  }
0x14b: {  	[sflag:s10] =	ssyncadd.s32 $0xFFFFC000  }
0x14c: {  	[tilespmem:s16], [sflag:$0x1] =	stream.indirect.gather [hbm4b:s22+s17], $0x80, s2, s17, $0xb8;
	[tilespmem:$0x10400] =	vst v63  }
0x14d: {  	_ =	swait.ge [sflag:s20], $0x4000  }
0x14e: {  	[sflag:s20] =	ssyncset.done $0x0  }
0x14f: {  	s31 =	rddreg [dreg:$0xa];
	[sflag:s20] =	ssyncadd.s32 $0xFFFFC000  }
0x150: {  	[hbm4b:s31+s2] =	stream.linear.scatter [tilespmem:s15], [sflag:$0x6], $0x4000, $0x38;
	[tilespmem:$0x10400] =	vst v63  }
0x151: {  	_ =	swait.ge [sflag:s8], $0x4000  }
0x152: {  	[sflag:s8] =	ssyncset.done $0x0  }
0x153: {  	[sflag:s8] =	ssyncadd.s32 $0xFFFFC000  }
0x154: {  	[tilespmem:s15], [sflag:$0x2] =	stream.indirect.gather [hbm4b:s22+s17], $0x80, s17, s17, $0xb8;
	[tilespmem:$0x10400] =	vst v63  }
0x155: {  	_ =	swait.ge [sflag:s18], $0x4000  }
0x156: {  	[sflag:s18] =	ssyncset.done $0x0  }
0x157: {  	s1 =	rddreg [dreg:$0xb];
	[sflag:s18] =	ssyncadd.s32 $0xFFFFC000  }
0x158: {  	[hbm4b:s1+s2] =	stream.linear.scatter [tilespmem:s14], [sflag:$0x7], $0x4000, $0x38;
	[tilespmem:$0x10400] =	vst v63  }
0x159: {  	_ =	swait.ge [sflag:s13], $0x4000  }
0x15a: {  	[sflag:s13] =	ssyncset.done $0x0  }
0x15b: {  	[sflag:s13] =	ssyncadd.s32 $0xFFFFC000  }
0x15c: {  	[tilespmem:s14], [sflag:$0x3] =	stream.indirect.gather [hbm4b:s22+s17], $0x80, s30, s17, $0xb8;
	[tilespmem:$0x10400] =	vst v63  }
0x15d: {  	_ =	swait.ge [sflag:s19], $0x4000  }
0x15e: {  	[sflag:s19] =	ssyncset.done $0x0  }
0x15f: {  	s28 =	rddreg [dreg:$0xc];
	[sflag:s19] =	ssyncadd.s32 $0xFFFFC000  }
0x160: {  	[hbm4b:s28+s2] =	stream.linear.scatter [tilespmem:s12], [sflag:$0x8], $0x4000, $0x38;
	[tilespmem:$0x10400] =	vst v63  }
0x161: {  	_ =	swait.ge [sflag:s11], $0x4000  }
0x162: {  	[sflag:s11] =	ssyncset.done $0x0  }
0x163: {  	[sflag:s11] =	ssyncadd.s32 $0xFFFFC000  }
0x164: {  	[tilespmem:s12], [sflag:$0x4] =	stream.indirect.gather [hbm4b:s22+s17], $0x80, s29, s17, $0xb8;
	[tilespmem:$0x10400] =	vst v63  }
0x165: {  	_ =	swait.ge [sflag:s21], $0x4000  }
0x166: {  	[sflag:s21] =	ssyncset.done $0x0  }
0x167: {  	s29 =	rddreg [dreg:$0xd];
	[sflag:s21] =	ssyncadd.s32 $0xFFFFC000  }
0x168: {  	[hbm4b:s29+s2] =	stream.linear.scatter [tilespmem:s16], [sflag:$0x5], $0x4000, $0x38;
	[tilespmem:$0x10400] =	vst v63  }
0x169: {  	_ =	swait.ge [sflag:s10], $0x4000  }
0x16a: {  	[sflag:s10] =	ssyncset.done $0x0  }
0x16b: {  	[sflag:s10] =	ssyncadd.s32 $0xFFFFC000  }
0x16c: {  	[tilespmem:s16], [sflag:$0x1] =	stream.indirect.gather [hbm4b:s4+s17], $0x80, s24, s17, $0xb8;
	[tilespmem:$0x10400] =	vst v63  }
0x16d: {  	_ =	swait.ge [sflag:s20], $0x4000  }
0x16e: {  	[sflag:s20] =	ssyncset.done $0x0  }
0x16f: {  	s30 =	rddreg [dreg:$0xe];
	[sflag:s20] =	ssyncadd.s32 $0xFFFFC000  }
0x170: {  	[hbm4b:s30+s2] =	stream.linear.scatter [tilespmem:s15], [sflag:$0x6], $0x4000, $0x38;
	[tilespmem:$0x10400] =	vst v63  }
0x171: {  	_ =	swait.ge [sflag:s8], $0x4000  }
0x172: {  	[sflag:s8] =	ssyncset.done $0x0  }
0x173: {  	[sflag:s8] =	ssyncadd.s32 $0xFFFFC000  }
0x174: {  	[tilespmem:s15], [sflag:$0x2] =	stream.indirect.gather [hbm4b:s4+s17], $0x80, s26, s17, $0xb8;
	[tilespmem:$0x10400] =	vst v63  }
0x175: {  	_ =	swait.ge [sflag:s18], $0x4000  }
0x176: {  	[sflag:s18] =	ssyncset.done $0x0  }
0x177: {  	s31 =	rddreg [dreg:$0xf];
	[sflag:s18] =	ssyncadd.s32 $0xFFFFC000  }
0x178: {  	[hbm4b:s31+s2] =	stream.linear.scatter [tilespmem:s14], [sflag:$0x7], $0x4000, $0x38;
	[tilespmem:$0x10400] =	vst v63  }
0x179: {  	_ =	swait.ge [sflag:s13], $0x4000  }
0x17a: {  	[sflag:s13] =	ssyncset.done $0x0  }
0x17b: {  	[sflag:s13] =	ssyncadd.s32 $0xFFFFC000  }
0x17c: {  	[tilespmem:s14], [sflag:$0x3] =	stream.indirect.gather [hbm4b:s4+s17], $0x80, s25, s17, $0xb8;
	[tilespmem:$0x10400] =	vst v63  }
0x17d: {  	_ =	swait.ge [sflag:s19], $0x4000  }
0x17e: {  	[sflag:s19] =	ssyncset.done $0x0  }
0x17f: {  	s1 =	rddreg [dreg:$0x10];
	[sflag:s19] =	ssyncadd.s32 $0xFFFFC000  }
0x180: {  	[hbm4b:s1+s2] =	stream.linear.scatter [tilespmem:s12], [sflag:$0x8], $0x4000, $0x38;
	[tilespmem:$0x10400] =	vst v63  }
0x181: {  	_ =	swait.ge [sflag:s11], $0x4000  }
0x182: {  	[sflag:s11] =	ssyncset.done $0x0  }
0x183: {  	[sflag:s11] =	ssyncadd.s32 $0xFFFFC000  }
0x184: {  	[tilespmem:s12], [sflag:$0x4] =	stream.indirect.gather [hbm4b:s4+s17], $0x80, s23, s17, $0xb8;
	[tilespmem:$0x10400] =	vst v63  }
0x185: {  	_ =	swait.ge [sflag:s21], $0x4000  }
0x186: {  	[sflag:s21] =	ssyncset.done $0x0  }
0x187: {  	s22 =	rddreg [dreg:$0x11];
	[sflag:s21] =	ssyncadd.s32 $0xFFFFC000  }
0x188: {  	[hbm4b:s22+s2] =	stream.linear.scatter [tilespmem:s16], [sflag:$0x5], $0x4000, $0x38;
	[tilespmem:$0x10400] =	vst v63  }
0x189: {  	_ =	swait.ge [sflag:s10], $0x4000  }
0x18a: {  	[sflag:s10] =	ssyncset.done $0x0  }
0x18b: {  	[sflag:s10] =	ssyncadd.s32 $0xFFFFC000  }
0x18c: {  	[tilespmem:s16], [sflag:$0x1] =	stream.indirect.gather [hbm4b:s3+s17], $0x80, s24, s17, $0xb8;
	[tilespmem:$0x10400] =	vst v63  }
0x18d: {  	_ =	swait.ge [sflag:s20], $0x4000  }
0x18e: {  	[sflag:s20] =	ssyncset.done $0x0  }
0x18f: {  	s28 =	rddreg [dreg:$0x12];
	[sflag:s20] =	ssyncadd.s32 $0xFFFFC000  }
0x190: {  	[hbm4b:s28+s2] =	stream.linear.scatter [tilespmem:s15], [sflag:$0x6], $0x4000, $0x38;
	[tilespmem:$0x10400] =	vst v63  }
0x191: {  	_ =	swait.ge [sflag:s8], $0x4000  }
0x192: {  	[sflag:s8] =	ssyncset.done $0x0  }
0x193: {  	[sflag:s8] =	ssyncadd.s32 $0xFFFFC000  }
0x194: {  	[tilespmem:s15], [sflag:$0x2] =	stream.indirect.gather [hbm4b:s3+s17], $0x80, s26, s17, $0xb8;
	[tilespmem:$0x10400] =	vst v63  }
0x195: {  	_ =	swait.ge [sflag:s18], $0x4000  }
0x196: {  	[sflag:s18] =	ssyncset.done $0x0  }
0x197: {  	s29 =	rddreg [dreg:$0x13];
	[sflag:s18] =	ssyncadd.s32 $0xFFFFC000  }
0x198: {  	[hbm4b:s29+s2] =	stream.linear.scatter [tilespmem:s14], [sflag:$0x7], $0x4000, $0x38;
	[tilespmem:$0x10400] =	vst v63  }
0x199: {  	_ =	swait.ge [sflag:s13], $0x4000  }
0x19a: {  	[sflag:s13] =	ssyncset.done $0x0  }
0x19b: {  	[sflag:s13] =	ssyncadd.s32 $0xFFFFC000  }
0x19c: {  	[tilespmem:s14], [sflag:$0x3] =	stream.indirect.gather [hbm4b:s3+s17], $0x80, s25, s17, $0xb8;
	[tilespmem:$0x10400] =	vst v63  }
0x19d: {  	_ =	swait.ge [sflag:s19], $0x4000  }
0x19e: {  	[sflag:s19] =	ssyncset.done $0x0  }
0x19f: {  	s30 =	rddreg [dreg:$0x14];
	[sflag:s19] =	ssyncadd.s32 $0xFFFFC000  }
0x1a0: {  	[hbm4b:s30+s2] =	stream.linear.scatter [tilespmem:s12], [sflag:$0x8], $0x4000, $0x38;
	[tilespmem:$0x10400] =	vst v63  }
0x1a1: {  	_ =	swait.ge [sflag:s11], $0x4000  }
0x1a2: {  	[sflag:s11] =	ssyncset.done $0x0  }
0x1a3: {  	[sflag:s11] =	ssyncadd.s32 $0xFFFFC000  }
0x1a4: {  	[tilespmem:s12], [sflag:$0x4] =	stream.indirect.gather [hbm4b:s3+s17], $0x80, s23, s17, $0xb8;
	[tilespmem:$0x10400] =	vst v63  }
0x1a5: {  	_ =	swait.ge [sflag:s21], $0x4000  }
0x1a6: {  	[sflag:s21] =	ssyncset.done $0x0  }
0x1a7: {  	[sflag:s21] =	ssyncadd.s32 $0xFFFFC000  }
0x1a8: {  	[hbm4b:s9+s2] =	stream.linear.scatter [tilespmem:s16], [sflag:$0x5], $0x4000, $0x38;
	[tilespmem:$0x10400] =	vst v63  }
0x1a9: {  	_ =	swait.ge [sflag:s20], $0x4000  }
0x1aa: {  	[sflag:s20] =	ssyncset.done $0x0  }
0x1ab: {  	[sflag:s20] =	ssyncadd.s32 $0xFFFFC000  }
0x1ac: {  	[hbm4b:s7+s2] =	stream.linear.scatter [tilespmem:s15], [sflag:$0x6], $0x4000, $0x38;
	[tilespmem:$0x10400] =	vst v63  }
0x1ad: {  	_ =	swait.ge [sflag:s18], $0x4000  }
0x1ae: {  	[sflag:s18] =	ssyncset.done $0x0  }
0x1af: {  	[sflag:s18] =	ssyncadd.s32 $0xFFFFC000  }
0x1b0: {  	[hbm4b:s6+s2] =	stream.linear.scatter [tilespmem:s14], [sflag:$0x7], $0x4000, $0x38;
	[tilespmem:$0x10400] =	vst v63  }
0x1b1: {  	_ =	swait.ge [sflag:s19], $0x4000  }
0x1b2: {  	[sflag:s19] =	ssyncset.done $0x0  }
0x1b3: {  	[sflag:s19] =	ssyncadd.s32 $0xFFFFC000  }
0x1b4: {  	[hbm4b:s5+s2] =	stream.linear.scatter [tilespmem:s12], [sflag:$0x8], $0x4000, $0x38;
	[tilespmem:$0x10400] =	vst v63  }
0x1b5: {  	_ =	swait.ge [sflag:s10], $0x4000  }
0x1b6: {  	[sflag:s10] =	ssyncset.done $0x0  }
0x1b7: {  	[sflag:s10] =	ssyncadd.s32 $0xFFFFC000  }
0x1b8: {  	_ =	swait.ge [sflag:s8], $0x4000  }
0x1b9: {  	[sflag:s8] =	ssyncset.done $0x0  }
0x1ba: {  	[sflag:s8] =	ssyncadd.s32 $0xFFFFC000  }
0x1bb: {  	_ =	swait.ge [sflag:s13], $0x4000  }
0x1bc: {  	[sflag:s13] =	ssyncset.done $0x0  }
0x1bd: {  	[sflag:s13] =	ssyncadd.s32 $0xFFFFC000  }
0x1be: {  	_ =	swait.ge [sflag:s11], $0x4000  }
0x1bf: {  	[sflag:s11] =	ssyncset.done $0x0  }
0x1c0: {  	[sflag:s11] =	ssyncadd.s32 $0xFFFFC000  }
0x1c1: {  	_ =	sfence.sel $0x180000  }
0x1c2: {  	[bflag:$0x0] =	sbarrier.arrive $0xFFFF  }
0x1c3: {  	_ =	strace $0x9000004A  }
0x1c4: {  	s31 =	stileid.u32;
	[bflag:$0x2] =	sbarrier.arrive $0xFFFF  }
0x1c5: {  	p0 =	sne.s32 s31, $0x0;
	s0 =	rddreg [dreg:$0x6]  }
0x1c6: {  	s0 =	sadd.s32 @!p0 $0x100000, s0  }
0x1c7: {  	[sflag:s0] =	ssyncadd.tile.s32 @!p0 $0x1;
	_ =	shalt  }
.Lfunc_end2:
_tile_overlayer_lowered:
.L_overlay_start_2:
0x1c8: {  	(tag) =	ssettag $0x2  }
0x1c9: {  	s0 =	rddreg [dreg:$0x0];
	s2 =	stileid.u32  }
0x1ca: {  	s1 =	rddreg [dreg:$0x1];
	p0 =	sne.s32 s2, $0x0  }
0x1cb: {  	s3 =	rddreg [dreg:$0x2];
	[bflag:$0x3] =	sbarrier.arrive $0xFFFF;
	s2 =	simm.s32 @!p0 $0x1C09  }
0x1cc: {  	[timem:s3], [sflag:s2] =	dma.local @!p0 [hbm:s0], s1  }
0x1cd: {  	s0 =	simm.s32 @!p0 $0x9  }
0x1ce: {  	_ =	swait.ge @!p0 [sflag:s0], s1  }
0x1cf: {  	s1 =	ssub.s32 @!p0 $0x0, s1;
	[sflag:s0] =	ssyncset.done @!p0 $0x0  }
0x1d0: {  	[sflag:s0] =	ssyncadd.s32 @!p0 s1  }
0x1d1: {  	[bflag:$0x3] =	sbarrier.arrive $0xFFFF  }
0x1d2: {  	_ =	shalt  }

</sc_bundles>
